<compile_context>
chip_gen: v7x
topology: tpu7x:2x2x1
jax: 0.10.2.dev20260603
libtpu: 0.0.44.dev20260713+nightly
codegen_flags: <defaults>
</compile_context>

<pallas_src>
import jax
import jax.numpy as jnp
from jax import lax
from jax.experimental import pallas as pl
from jax.experimental.pallas import tpu as pltpu
from jax.experimental.pallas import tpu_sc as plsc

NC, NS = 2, 16
NW = NC * NS
B = 4096 * 200
D_I32 = 32
B_PER_W = B // NW
CHUNK = 1600
NCHUNK = B_PER_W // CHUNK
NBUF = 2
NGROUP = NCHUNK // NBUF


def _gather_body(idx_hbm, tab_hbm, out_hbm,
                 idx0, idx1, rows0, rows1,
                 is0, is1, gs0, gs1, os0, os1):
    wid = lax.axis_index("s") * NC + lax.axis_index("c")
    base = wid * B_PER_W
    idx_v = (idx0, idx1)
    rows_v = (rows0, rows1)
    isem = (is0, is1)
    gsem = (gs0, gs1)
    osem = (os0, os1)

    def fire_idx(off, b):
        pltpu.async_copy(idx_hbm.at[pl.ds(off, CHUNK)], idx_v[b], isem[b])

    def wait_idx(off, b):
        pltpu.make_async_copy(idx_hbm.at[pl.ds(off, CHUNK)], idx_v[b],
                              isem[b]).wait()

    def wait_out(off, b):
        pltpu.make_async_copy(rows_v[b], out_hbm.at[pl.ds(off, CHUNK)],
                              osem[b]).wait()

    def gather(b):
        pltpu.async_copy(tab_hbm.at[idx_v[b]], rows_v[b], gsem[b]).wait()

    def fire_out(off, b):
        pltpu.async_copy(rows_v[b], out_hbm.at[pl.ds(off, CHUNK)], osem[b])

    for b in range(NBUF):
        fire_idx(base + b * CHUNK, b)
    for b in range(NBUF):
        off = base + b * CHUNK
        wait_idx(off, b)
        gather(b)
        fire_idx(off + NBUF * CHUNK, b)
        fire_out(off, b)

    def group(g, carry):
        i0 = g * NBUF
        for b in range(NBUF):
            off = base + (i0 + b) * CHUNK
            wait_out(off, b)
            wait_idx(off, b)
            gather(b)
            fire_idx(off + NBUF * CHUNK, b)
            fire_out(off, b)
        return carry

    lax.fori_loop(1, NGROUP - 1, group, 0)

    for b in range(NBUF):
        off = base + ((NGROUP - 1) * NBUF + b) * CHUNK
        wait_out(off, b)
        wait_idx(off, b)
        gather(b)
        fire_out(off, b)

    for b in range(NBUF):
        wait_out(base + b * CHUNK, b)


def kernel(input_ids, weight):
    idx = input_ids.reshape(-1).astype(jnp.int32)
    tab = lax.bitcast_convert_type(
        weight.reshape(weight.shape[0], D_I32, 2), jnp.int32)

    run = pl.kernel(
        _gather_body,
        out_type=jax.ShapeDtypeStruct((B, D_I32), jnp.int32),
        mesh=plsc.VectorSubcoreMesh(
            core_axis_name="c", subcore_axis_name="s",
            num_cores=NC, num_subcores=NS),
        scratch_types=[
            pltpu.VMEM((CHUNK,), jnp.int32),
            pltpu.VMEM((CHUNK,), jnp.int32),
            pltpu.VMEM((CHUNK, D_I32), jnp.int32),
            pltpu.VMEM((CHUNK, D_I32), jnp.int32),
            pltpu.SemaphoreType.DMA,
            pltpu.SemaphoreType.DMA,
            pltpu.SemaphoreType.DMA,
            pltpu.SemaphoreType.DMA,
            pltpu.SemaphoreType.DMA,
            pltpu.SemaphoreType.DMA,
        ],
        compiler_params=pltpu.CompilerParams(use_tc_tiling_on_sc=False),
    )
    out = run(idx, tab)
    hidden = lax.bitcast_convert_type(out, jnp.bfloat16)
    return hidden.reshape(input_ids.shape[0], input_ids.shape[1], 64)

# --- scband reference (transcript-rebuilt; emitter-appended) ---
"""Pipeline reference for scband-embedding-62895501083239 (READ-ONLY COPY).

The authoritative reference and input builder live on the scoring server;
editing this copy changes nothing except your own understanding.
"""

import jax, jax.numpy as jnp
import numpy as np

NUM_EMBEDDINGS = 1000000
EMBEDDING_DIM = 64

def setup_inputs(seed=0) -> dict:
    key = jax.random.key(seed)
    k_idx, k_w = jax.random.split(key)
    input_ids = jax.random.randint(k_idx, (4096, 200), 0, NUM_EMBEDDINGS, dtype=jnp.int64)
    weight = (jax.random.normal(k_w, (NUM_EMBEDDINGS, EMBEDDING_DIM), dtype=jnp.float32) * 0.02).astype(jnp.bfloat16)
    return {"input_ids": input_ids, "weight": weight}

def reference(input_ids, weight):
    # F.embedding(input_ids, weight) with no max_norm/padding_idx is a pure row gather
    hidden = jnp.take(weight, input_ids, axis=0)
    return hidden

if __name__ == "__main__":
    import jax
    _d = setup_inputs()
    print(jax.jit(kernel)(*tuple(_d.values())))

</pallas_src>

<mosaic_0001>
#map = affine_map<(d0, d1) -> (0)>
#map1 = affine_map<(d0, d1) -> (0, 0)>
module attributes {stable_mosaic.version = 14 : i64} {
  func.func @_gather_body(%arg0: i32, %arg1: i32, %arg2: memref<819200xi32, #tpu.memory_space<hbm>>, %arg3: memref<1000000x32xi32, #tpu.memory_space<hbm>>, %arg4: memref<819200x32xi32, #tpu.memory_space<hbm>>, %arg5: memref<1600xi32, #tpu.memory_space<vmem>>, %arg6: memref<1600xi32, #tpu.memory_space<vmem>>, %arg7: memref<1600x32xi32, #tpu.memory_space<vmem>>, %arg8: memref<1600x32xi32, #tpu.memory_space<vmem>>, %arg9: memref<!tpu.dma_semaphore, #tpu.memory_space<semaphore_mem>>, %arg10: memref<!tpu.dma_semaphore, #tpu.memory_space<semaphore_mem>>, %arg11: memref<!tpu.dma_semaphore, #tpu.memory_space<semaphore_mem>>, %arg12: memref<!tpu.dma_semaphore, #tpu.memory_space<semaphore_mem>>, %arg13: memref<!tpu.dma_semaphore, #tpu.memory_space<semaphore_mem>>, %arg14: memref<!tpu.dma_semaphore, #tpu.memory_space<semaphore_mem>>) attributes {dimension_semantics = [#tpu.dimension_semantics<core_parallel>, #tpu.dimension_semantics<subcore_parallel>], iteration_bounds = array<i64: 2, 16>, scalar_prefetch = 0 : i64, scratch_operands = 10 : i64, tpu.core_type = #tpu.core_type<sc_vector_subcore>, window_params = [{transform_indices = #map}, {transform_indices = #map1}, {transform_indices = #map1}]} {
    %mul3A = arith.constant 2 : i32
    %mul3A_0 = arith.muli %arg1, %mul3A : i32
    %add3A = arith.addi %mul3A_0, %arg0 : i32
    %mul3A_1 = arith.constant 25600 : i32
    %mul3A_2 = arith.muli %add3A, %mul3A_1 : i32
    %add3A_3 = arith.constant 0 : i32
    %add3A_4 = arith.addi %mul3A_2, %add3A_3 : i32
    %dma_start3A = tpu.memref_slice %arg2[%add3A_4] : memref<819200xi32, #tpu.memory_space<hbm>> -> memref<1600xi32, #tpu.memory_space<hbm>>
    %dma_start3A_5 = tpu.memref_slice %arg2[%add3A_4] : memref<819200xi32, #tpu.memory_space<hbm>> -> memref<1600xi32, #tpu.memory_space<hbm>>
    tpu.enqueue_dma source(%dma_start3A_5 : memref<1600xi32, #tpu.memory_space<hbm>>) target(%arg5 : memref<1600xi32, #tpu.memory_space<vmem>>) target_semaphore(%arg9 : memref<!tpu.dma_semaphore, #tpu.memory_space<semaphore_mem>>)
    %add3A_6 = arith.constant 1600 : i32
    %add3A_7 = arith.addi %mul3A_2, %add3A_6 : i32
    %dma_start3A_8 = tpu.memref_slice %arg2[%add3A_7] : memref<819200xi32, #tpu.memory_space<hbm>> -> memref<1600xi32, #tpu.memory_space<hbm>>
    %dma_start3A_9 = tpu.memref_slice %arg2[%add3A_7] : memref<819200xi32, #tpu.memory_space<hbm>> -> memref<1600xi32, #tpu.memory_space<hbm>>
    tpu.enqueue_dma source(%dma_start3A_9 : memref<1600xi32, #tpu.memory_space<hbm>>) target(%arg6 : memref<1600xi32, #tpu.memory_space<vmem>>) target_semaphore(%arg10 : memref<!tpu.dma_semaphore, #tpu.memory_space<semaphore_mem>>)
    %add3A_10 = arith.constant 0 : i32
    %add3A_11 = arith.addi %mul3A_2, %add3A_10 : i32
    %dma_wait3A = tpu.memref_slice %arg2[%add3A_11] : memref<819200xi32, #tpu.memory_space<hbm>> -> memref<1600xi32, #tpu.memory_space<hbm>>
    %dma_wait3A_12 = tpu.memref_slice %arg2[%add3A_11] : memref<819200xi32, #tpu.memory_space<hbm>> -> memref<1600xi32, #tpu.memory_space<hbm>>
    tpu.wait_dma2 semaphore(%arg9 : memref<!tpu.dma_semaphore, #tpu.memory_space<semaphore_mem>>) src(%dma_wait3A_12 : memref<1600xi32, #tpu.memory_space<hbm>>) dst(%arg5 : memref<1600xi32, #tpu.memory_space<vmem>>)
    %dma_start3A_13 = arith.constant 0 : i32
    %dma_start3A_14 = arith.constant 0 : i32
    %dma_start3A_15 = tpu.memref_slice %arg3[%dma_start3A_13, %dma_start3A_14] : memref<1000000x32xi32, #tpu.memory_space<hbm>> -> memref<1000000x32xi32, #tpu.memory_space<hbm>>
    tpu.enqueue_indirect_dma source(%dma_start3A_15 : memref<1000000x32xi32, #tpu.memory_space<hbm>>) target(%arg7 : memref<1600x32xi32, #tpu.memory_space<vmem>>) offsets(%arg5 : memref<1600xi32, #tpu.memory_space<vmem>>) semaphore(%arg11 : memref<!tpu.dma_semaphore, #tpu.memory_space<semaphore_mem>>)
    %dma_wait3A_16 = arith.constant 0 : i32
    %dma_wait3A_17 = arith.constant 0 : i32
    %dma_wait3A_18 = tpu.memref_slice %arg3[%dma_wait3A_16, %dma_wait3A_17] : memref<1000000x32xi32, #tpu.memory_space<hbm>> -> memref<1000000x32xi32, #tpu.memory_space<hbm>>
    tpu.wait_indirect_dma semaphore(%arg11 : memref<!tpu.dma_semaphore, #tpu.memory_space<semaphore_mem>>) src(%dma_wait3A_18 : memref<1000000x32xi32, #tpu.memory_space<hbm>>) dst(%arg7 : memref<1600x32xi32, #tpu.memory_space<vmem>>)
    %add3A_19 = arith.constant 3200 : i32
    %add3A_20 = arith.addi %add3A_11, %add3A_19 : i32
    %dma_start3A_21 = tpu.memref_slice %arg2[%add3A_20] : memref<819200xi32, #tpu.memory_space<hbm>> -> memref<1600xi32, #tpu.memory_space<hbm>>
    %dma_start3A_22 = tpu.memref_slice %arg2[%add3A_20] : memref<819200xi32, #tpu.memory_space<hbm>> -> memref<1600xi32, #tpu.memory_space<hbm>>
    tpu.enqueue_dma source(%dma_start3A_22 : memref<1600xi32, #tpu.memory_space<hbm>>) target(%arg5 : memref<1600xi32, #tpu.memory_space<vmem>>) target_semaphore(%arg9 : memref<!tpu.dma_semaphore, #tpu.memory_space<semaphore_mem>>)
    %dma_start3A_23 = arith.constant 0 : i32
    %dma_start3A_24 = tpu.memref_slice %arg4[%add3A_11, %dma_start3A_23] : memref<819200x32xi32, #tpu.memory_space<hbm>> -> memref<1600x32xi32, #tpu.memory_space<hbm>>
    %dma_start3A_25 = arith.constant 0 : i32
    %dma_start3A_26 = tpu.memref_slice %arg4[%add3A_11, %dma_start3A_25] : memref<819200x32xi32, #tpu.memory_space<hbm>> -> memref<1600x32xi32, #tpu.memory_space<hbm>>
    tpu.enqueue_dma source(%arg7 : memref<1600x32xi32, #tpu.memory_space<vmem>>) target(%dma_start3A_26 : memref<1600x32xi32, #tpu.memory_space<hbm>>) target_semaphore(%arg13 : memref<!tpu.dma_semaphore, #tpu.memory_space<semaphore_mem>>)
    %add3A_27 = arith.constant 1600 : i32
    %add3A_28 = arith.addi %mul3A_2, %add3A_27 : i32
    %dma_wait3A_29 = tpu.memref_slice %arg2[%add3A_28] : memref<819200xi32, #tpu.memory_space<hbm>> -> memref<1600xi32, #tpu.memory_space<hbm>>
    %dma_wait3A_30 = tpu.memref_slice %arg2[%add3A_28] : memref<819200xi32, #tpu.memory_space<hbm>> -> memref<1600xi32, #tpu.memory_space<hbm>>
    tpu.wait_dma2 semaphore(%arg10 : memref<!tpu.dma_semaphore, #tpu.memory_space<semaphore_mem>>) src(%dma_wait3A_30 : memref<1600xi32, #tpu.memory_space<hbm>>) dst(%arg6 : memref<1600xi32, #tpu.memory_space<vmem>>)
    %dma_start3A_31 = arith.constant 0 : i32
    %dma_start3A_32 = arith.constant 0 : i32
    %dma_start3A_33 = tpu.memref_slice %arg3[%dma_start3A_31, %dma_start3A_32] : memref<1000000x32xi32, #tpu.memory_space<hbm>> -> memref<1000000x32xi32, #tpu.memory_space<hbm>>
    tpu.enqueue_indirect_dma source(%dma_start3A_33 : memref<1000000x32xi32, #tpu.memory_space<hbm>>) target(%arg8 : memref<1600x32xi32, #tpu.memory_space<vmem>>) offsets(%arg6 : memref<1600xi32, #tpu.memory_space<vmem>>) semaphore(%arg12 : memref<!tpu.dma_semaphore, #tpu.memory_space<semaphore_mem>>)
    %dma_wait3A_34 = arith.constant 0 : i32
    %dma_wait3A_35 = arith.constant 0 : i32
    %dma_wait3A_36 = tpu.memref_slice %arg3[%dma_wait3A_34, %dma_wait3A_35] : memref<1000000x32xi32, #tpu.memory_space<hbm>> -> memref<1000000x32xi32, #tpu.memory_space<hbm>>
    tpu.wait_indirect_dma semaphore(%arg12 : memref<!tpu.dma_semaphore, #tpu.memory_space<semaphore_mem>>) src(%dma_wait3A_36 : memref<1000000x32xi32, #tpu.memory_space<hbm>>) dst(%arg8 : memref<1600x32xi32, #tpu.memory_space<vmem>>)
    %add3A_37 = arith.constant 3200 : i32
    %add3A_38 = arith.addi %add3A_28, %add3A_37 : i32
    %dma_start3A_39 = tpu.memref_slice %arg2[%add3A_38] : memref<819200xi32, #tpu.memory_space<hbm>> -> memref<1600xi32, #tpu.memory_space<hbm>>
    %dma_start3A_40 = tpu.memref_slice %arg2[%add3A_38] : memref<819200xi32, #tpu.memory_space<hbm>> -> memref<1600xi32, #tpu.memory_space<hbm>>
    tpu.enqueue_dma source(%dma_start3A_40 : memref<1600xi32, #tpu.memory_space<hbm>>) target(%arg6 : memref<1600xi32, #tpu.memory_space<vmem>>) target_semaphore(%arg10 : memref<!tpu.dma_semaphore, #tpu.memory_space<semaphore_mem>>)
    %dma_start3A_41 = arith.constant 0 : i32
    %dma_start3A_42 = tpu.memref_slice %arg4[%add3A_28, %dma_start3A_41] : memref<819200x32xi32, #tpu.memory_space<hbm>> -> memref<1600x32xi32, #tpu.memory_space<hbm>>
    %dma_start3A_43 = arith.constant 0 : i32
    %dma_start3A_44 = tpu.memref_slice %arg4[%add3A_28, %dma_start3A_43] : memref<819200x32xi32, #tpu.memory_space<hbm>> -> memref<1600x32xi32, #tpu.memory_space<hbm>>
    tpu.enqueue_dma source(%arg8 : memref<1600x32xi32, #tpu.memory_space<vmem>>) target(%dma_start3A_44 : memref<1600x32xi32, #tpu.memory_space<hbm>>) target_semaphore(%arg14 : memref<!tpu.dma_semaphore, #tpu.memory_space<semaphore_mem>>)
    %scan3A = arith.constant 0 : i32
    %scan3A_45 = arith.constant 1 : i32
    %scan3A_46 = arith.constant 6 : i32
    %scan3A_47 = arith.addi %scan3A_45, %scan3A_46 : i32
    %scan3A_48 = arith.constant 1 : i32
    scf.for %scan3A_98 = %scan3A_45 to %scan3A_47 step %scan3A_48  : i32 {
      %mul3A_99 = arith.constant 2 : i32
      %mul3A_100 = arith.muli %scan3A_98, %mul3A_99 : i32
      %add3A_101 = arith.constant 0 : i32
      %add3A_102 = arith.addi %mul3A_100, %add3A_101 : i32
      %mul3A_103 = arith.constant 1600 : i32
      %mul3A_104 = arith.muli %add3A_102, %mul3A_103 : i32
      %add3A_105 = arith.addi %mul3A_2, %mul3A_104 : i32
      %dma_wait3A_106 = arith.constant 0 : i32
      %dma_wait3A_107 = tpu.memref_slice %arg4[%add3A_105, %dma_wait3A_106] : memref<819200x32xi32, #tpu.memory_space<hbm>> -> memref<1600x32xi32, #tpu.memory_space<hbm>>
      %dma_wait3A_108 = arith.constant 0 : i32
      %dma_wait3A_109 = tpu.memref_slice %arg4[%add3A_105, %dma_wait3A_108] : memref<819200x32xi32, #tpu.memory_space<hbm>> -> memref<1600x32xi32, #tpu.memory_space<hbm>>
      tpu.wait_dma2 semaphore(%arg13 : memref<!tpu.dma_semaphore, #tpu.memory_space<semaphore_mem>>) src(%arg7 : memref<1600x32xi32, #tpu.memory_space<vmem>>) dst(%dma_wait3A_109 : memref<1600x32xi32, #tpu.memory_space<hbm>>)
      %dma_wait3A_110 = tpu.memref_slice %arg2[%add3A_105] : memref<819200xi32, #tpu.memory_space<hbm>> -> memref<1600xi32, #tpu.memory_space<hbm>>
      %dma_wait3A_111 = tpu.memref_slice %arg2[%add3A_105] : memref<819200xi32, #tpu.memory_space<hbm>> -> memref<1600xi32, #tpu.memory_space<hbm>>
      tpu.wait_dma2 semaphore(%arg9 : memref<!tpu.dma_semaphore, #tpu.memory_space<semaphore_mem>>) src(%dma_wait3A_111 : memref<1600xi32, #tpu.memory_space<hbm>>) dst(%arg5 : memref<1600xi32, #tpu.memory_space<vmem>>)
      %dma_start3A_112 = arith.constant 0 : i32
      %dma_start3A_113 = arith.constant 0 : i32
      %dma_start3A_114 = tpu.memref_slice %arg3[%dma_start3A_112, %dma_start3A_113] : memref<1000000x32xi32, #tpu.memory_space<hbm>> -> memref<1000000x32xi32, #tpu.memory_space<hbm>>
      tpu.enqueue_indirect_dma source(%dma_start3A_114 : memref<1000000x32xi32, #tpu.memory_space<hbm>>) target(%arg7 : memref<1600x32xi32, #tpu.memory_space<vmem>>) offsets(%arg5 : memref<1600xi32, #tpu.memory_space<vmem>>) semaphore(%arg11 : memref<!tpu.dma_semaphore, #tpu.memory_space<semaphore_mem>>)
      %dma_wait3A_115 = arith.constant 0 : i32
      %dma_wait3A_116 = arith.constant 0 : i32
      %dma_wait3A_117 = tpu.memref_slice %arg3[%dma_wait3A_115, %dma_wait3A_116] : memref<1000000x32xi32, #tpu.memory_space<hbm>> -> memref<1000000x32xi32, #tpu.memory_space<hbm>>
      tpu.wait_indirect_dma semaphore(%arg11 : memref<!tpu.dma_semaphore, #tpu.memory_space<semaphore_mem>>) src(%dma_wait3A_117 : memref<1000000x32xi32, #tpu.memory_space<hbm>>) dst(%arg7 : memref<1600x32xi32, #tpu.memory_space<vmem>>)
      %add3A_118 = arith.constant 3200 : i32
      %add3A_119 = arith.addi %add3A_105, %add3A_118 : i32
      %dma_start3A_120 = tpu.memref_slice %arg2[%add3A_119] : memref<819200xi32, #tpu.memory_space<hbm>> -> memref<1600xi32, #tpu.memory_space<hbm>>
      %dma_start3A_121 = tpu.memref_slice %arg2[%add3A_119] : memref<819200xi32, #tpu.memory_space<hbm>> -> memref<1600xi32, #tpu.memory_space<hbm>>
      tpu.enqueue_dma source(%dma_start3A_121 : memref<1600xi32, #tpu.memory_space<hbm>>) target(%arg5 : memref<1600xi32, #tpu.memory_space<vmem>>) target_semaphore(%arg9 : memref<!tpu.dma_semaphore, #tpu.memory_space<semaphore_mem>>)
      %dma_start3A_122 = arith.constant 0 : i32
      %dma_start3A_123 = tpu.memref_slice %arg4[%add3A_105, %dma_start3A_122] : memref<819200x32xi32, #tpu.memory_space<hbm>> -> memref<1600x32xi32, #tpu.memory_space<hbm>>
      %dma_start3A_124 = arith.constant 0 : i32
      %dma_start3A_125 = tpu.memref_slice %arg4[%add3A_105, %dma_start3A_124] : memref<819200x32xi32, #tpu.memory_space<hbm>> -> memref<1600x32xi32, #tpu.memory_space<hbm>>
      tpu.enqueue_dma source(%arg7 : memref<1600x32xi32, #tpu.memory_space<vmem>>) target(%dma_start3A_125 : memref<1600x32xi32, #tpu.memory_space<hbm>>) target_semaphore(%arg13 : memref<!tpu.dma_semaphore, #tpu.memory_space<semaphore_mem>>)
      %add3A_126 = arith.constant 1 : i32
      %add3A_127 = arith.addi %mul3A_100, %add3A_126 : i32
      %mul3A_128 = arith.constant 1600 : i32
      %mul3A_129 = arith.muli %add3A_127, %mul3A_128 : i32
      %add3A_130 = arith.addi %mul3A_2, %mul3A_129 : i32
      %dma_wait3A_131 = arith.constant 0 : i32
      %dma_wait3A_132 = tpu.memref_slice %arg4[%add3A_130, %dma_wait3A_131] : memref<819200x32xi32, #tpu.memory_space<hbm>> -> memref<1600x32xi32, #tpu.memory_space<hbm>>
      %dma_wait3A_133 = arith.constant 0 : i32
      %dma_wait3A_134 = tpu.memref_slice %arg4[%add3A_130, %dma_wait3A_133] : memref<819200x32xi32, #tpu.memory_space<hbm>> -> memref<1600x32xi32, #tpu.memory_space<hbm>>
      tpu.wait_dma2 semaphore(%arg14 : memref<!tpu.dma_semaphore, #tpu.memory_space<semaphore_mem>>) src(%arg8 : memref<1600x32xi32, #tpu.memory_space<vmem>>) dst(%dma_wait3A_134 : memref<1600x32xi32, #tpu.memory_space<hbm>>)
      %dma_wait3A_135 = tpu.memref_slice %arg2[%add3A_130] : memref<819200xi32, #tpu.memory_space<hbm>> -> memref<1600xi32, #tpu.memory_space<hbm>>
      %dma_wait3A_136 = tpu.memref_slice %arg2[%add3A_130] : memref<819200xi32, #tpu.memory_space<hbm>> -> memref<1600xi32, #tpu.memory_space<hbm>>
      tpu.wait_dma2 semaphore(%arg10 : memref<!tpu.dma_semaphore, #tpu.memory_space<semaphore_mem>>) src(%dma_wait3A_136 : memref<1600xi32, #tpu.memory_space<hbm>>) dst(%arg6 : memref<1600xi32, #tpu.memory_space<vmem>>)
      %dma_start3A_137 = arith.constant 0 : i32
      %dma_start3A_138 = arith.constant 0 : i32
      %dma_start3A_139 = tpu.memref_slice %arg3[%dma_start3A_137, %dma_start3A_138] : memref<1000000x32xi32, #tpu.memory_space<hbm>> -> memref<1000000x32xi32, #tpu.memory_space<hbm>>
      tpu.enqueue_indirect_dma source(%dma_start3A_139 : memref<1000000x32xi32, #tpu.memory_space<hbm>>) target(%arg8 : memref<1600x32xi32, #tpu.memory_space<vmem>>) offsets(%arg6 : memref<1600xi32, #tpu.memory_space<vmem>>) semaphore(%arg12 : memref<!tpu.dma_semaphore, #tpu.memory_space<semaphore_mem>>)
      %dma_wait3A_140 = arith.constant 0 : i32
      %dma_wait3A_141 = arith.constant 0 : i32
      %dma_wait3A_142 = tpu.memref_slice %arg3[%dma_wait3A_140, %dma_wait3A_141] : memref<1000000x32xi32, #tpu.memory_space<hbm>> -> memref<1000000x32xi32, #tpu.memory_space<hbm>>
      tpu.wait_indirect_dma semaphore(%arg12 : memref<!tpu.dma_semaphore, #tpu.memory_space<semaphore_mem>>) src(%dma_wait3A_142 : memref<1000000x32xi32, #tpu.memory_space<hbm>>) dst(%arg8 : memref<1600x32xi32, #tpu.memory_space<vmem>>)
      %add3A_143 = arith.constant 3200 : i32
      %add3A_144 = arith.addi %add3A_130, %add3A_143 : i32
      %dma_start3A_145 = tpu.memref_slice %arg2[%add3A_144] : memref<819200xi32, #tpu.memory_space<hbm>> -> memref<1600xi32, #tpu.memory_space<hbm>>
      %dma_start3A_146 = tpu.memref_slice %arg2[%add3A_144] : memref<819200xi32, #tpu.memory_space<hbm>> -> memref<1600xi32, #tpu.memory_space<hbm>>
      tpu.enqueue_dma source(%dma_start3A_146 : memref<1600xi32, #tpu.memory_space<hbm>>) target(%arg6 : memref<1600xi32, #tpu.memory_space<vmem>>) target_semaphore(%arg10 : memref<!tpu.dma_semaphore, #tpu.memory_space<semaphore_mem>>)
      %dma_start3A_147 = arith.constant 0 : i32
      %dma_start3A_148 = tpu.memref_slice %arg4[%add3A_130, %dma_start3A_147] : memref<819200x32xi32, #tpu.memory_space<hbm>> -> memref<1600x32xi32, #tpu.memory_space<hbm>>
      %dma_start3A_149 = arith.constant 0 : i32
      %dma_start3A_150 = tpu.memref_slice %arg4[%add3A_130, %dma_start3A_149] : memref<819200x32xi32, #tpu.memory_space<hbm>> -> memref<1600x32xi32, #tpu.memory_space<hbm>>
      tpu.enqueue_dma source(%arg8 : memref<1600x32xi32, #tpu.memory_space<vmem>>) target(%dma_start3A_150 : memref<1600x32xi32, #tpu.memory_space<hbm>>) target_semaphore(%arg14 : memref<!tpu.dma_semaphore, #tpu.memory_space<semaphore_mem>>)
    }
    %scan3A_49 = arith.constant 6 : i32
    %add3A_50 = arith.constant 22400 : i32
    %add3A_51 = arith.addi %mul3A_2, %add3A_50 : i32
    %dma_wait3A_52 = arith.constant 0 : i32
    %dma_wait3A_53 = tpu.memref_slice %arg4[%add3A_51, %dma_wait3A_52] : memref<819200x32xi32, #tpu.memory_space<hbm>> -> memref<1600x32xi32, #tpu.memory_space<hbm>>
    %dma_wait3A_54 = arith.constant 0 : i32
    %dma_wait3A_55 = tpu.memref_slice %arg4[%add3A_51, %dma_wait3A_54] : memref<819200x32xi32, #tpu.memory_space<hbm>> -> memref<1600x32xi32, #tpu.memory_space<hbm>>
    tpu.wait_dma2 semaphore(%arg13 : memref<!tpu.dma_semaphore, #tpu.memory_space<semaphore_mem>>) src(%arg7 : memref<1600x32xi32, #tpu.memory_space<vmem>>) dst(%dma_wait3A_55 : memref<1600x32xi32, #tpu.memory_space<hbm>>)
    %dma_wait3A_56 = tpu.memref_slice %arg2[%add3A_51] : memref<819200xi32, #tpu.memory_space<hbm>> -> memref<1600xi32, #tpu.memory_space<hbm>>
    %dma_wait3A_57 = tpu.memref_slice %arg2[%add3A_51] : memref<819200xi32, #tpu.memory_space<hbm>> -> memref<1600xi32, #tpu.memory_space<hbm>>
    tpu.wait_dma2 semaphore(%arg9 : memref<!tpu.dma_semaphore, #tpu.memory_space<semaphore_mem>>) src(%dma_wait3A_57 : memref<1600xi32, #tpu.memory_space<hbm>>) dst(%arg5 : memref<1600xi32, #tpu.memory_space<vmem>>)
    %dma_start3A_58 = arith.constant 0 : i32
    %dma_start3A_59 = arith.constant 0 : i32
    %dma_start3A_60 = tpu.memref_slice %arg3[%dma_start3A_58, %dma_start3A_59] : memref<1000000x32xi32, #tpu.memory_space<hbm>> -> memref<1000000x32xi32, #tpu.memory_space<hbm>>
    tpu.enqueue_indirect_dma source(%dma_start3A_60 : memref<1000000x32xi32, #tpu.memory_space<hbm>>) target(%arg7 : memref<1600x32xi32, #tpu.memory_space<vmem>>) offsets(%arg5 : memref<1600xi32, #tpu.memory_space<vmem>>) semaphore(%arg11 : memref<!tpu.dma_semaphore, #tpu.memory_space<semaphore_mem>>)
    %dma_wait3A_61 = arith.constant 0 : i32
    %dma_wait3A_62 = arith.constant 0 : i32
    %dma_wait3A_63 = tpu.memref_slice %arg3[%dma_wait3A_61, %dma_wait3A_62] : memref<1000000x32xi32, #tpu.memory_space<hbm>> -> memref<1000000x32xi32, #tpu.memory_space<hbm>>
    tpu.wait_indirect_dma semaphore(%arg11 : memref<!tpu.dma_semaphore, #tpu.memory_space<semaphore_mem>>) src(%dma_wait3A_63 : memref<1000000x32xi32, #tpu.memory_space<hbm>>) dst(%arg7 : memref<1600x32xi32, #tpu.memory_space<vmem>>)
    %dma_start3A_64 = arith.constant 0 : i32
    %dma_start3A_65 = tpu.memref_slice %arg4[%add3A_51, %dma_start3A_64] : memref<819200x32xi32, #tpu.memory_space<hbm>> -> memref<1600x32xi32, #tpu.memory_space<hbm>>
    %dma_start3A_66 = arith.constant 0 : i32
    %dma_start3A_67 = tpu.memref_slice %arg4[%add3A_51, %dma_start3A_66] : memref<819200x32xi32, #tpu.memory_space<hbm>> -> memref<1600x32xi32, #tpu.memory_space<hbm>>
    tpu.enqueue_dma source(%arg7 : memref<1600x32xi32, #tpu.memory_space<vmem>>) target(%dma_start3A_67 : memref<1600x32xi32, #tpu.memory_space<hbm>>) target_semaphore(%arg13 : memref<!tpu.dma_semaphore, #tpu.memory_space<semaphore_mem>>)
    %add3A_68 = arith.constant 24000 : i32
    %add3A_69 = arith.addi %mul3A_2, %add3A_68 : i32
    %dma_wait3A_70 = arith.constant 0 : i32
    %dma_wait3A_71 = tpu.memref_slice %arg4[%add3A_69, %dma_wait3A_70] : memref<819200x32xi32, #tpu.memory_space<hbm>> -> memref<1600x32xi32, #tpu.memory_space<hbm>>
    %dma_wait3A_72 = arith.constant 0 : i32
    %dma_wait3A_73 = tpu.memref_slice %arg4[%add3A_69, %dma_wait3A_72] : memref<819200x32xi32, #tpu.memory_space<hbm>> -> memref<1600x32xi32, #tpu.memory_space<hbm>>
    tpu.wait_dma2 semaphore(%arg14 : memref<!tpu.dma_semaphore, #tpu.memory_space<semaphore_mem>>) src(%arg8 : memref<1600x32xi32, #tpu.memory_space<vmem>>) dst(%dma_wait3A_73 : memref<1600x32xi32, #tpu.memory_space<hbm>>)
    %dma_wait3A_74 = tpu.memref_slice %arg2[%add3A_69] : memref<819200xi32, #tpu.memory_space<hbm>> -> memref<1600xi32, #tpu.memory_space<hbm>>
    %dma_wait3A_75 = tpu.memref_slice %arg2[%add3A_69] : memref<819200xi32, #tpu.memory_space<hbm>> -> memref<1600xi32, #tpu.memory_space<hbm>>
    tpu.wait_dma2 semaphore(%arg10 : memref<!tpu.dma_semaphore, #tpu.memory_space<semaphore_mem>>) src(%dma_wait3A_75 : memref<1600xi32, #tpu.memory_space<hbm>>) dst(%arg6 : memref<1600xi32, #tpu.memory_space<vmem>>)
    %dma_start3A_76 = arith.constant 0 : i32
    %dma_start3A_77 = arith.constant 0 : i32
    %dma_start3A_78 = tpu.memref_slice %arg3[%dma_start3A_76, %dma_start3A_77] : memref<1000000x32xi32, #tpu.memory_space<hbm>> -> memref<1000000x32xi32, #tpu.memory_space<hbm>>
    tpu.enqueue_indirect_dma source(%dma_start3A_78 : memref<1000000x32xi32, #tpu.memory_space<hbm>>) target(%arg8 : memref<1600x32xi32, #tpu.memory_space<vmem>>) offsets(%arg6 : memref<1600xi32, #tpu.memory_space<vmem>>) semaphore(%arg12 : memref<!tpu.dma_semaphore, #tpu.memory_space<semaphore_mem>>)
    %dma_wait3A_79 = arith.constant 0 : i32
    %dma_wait3A_80 = arith.constant 0 : i32
    %dma_wait3A_81 = tpu.memref_slice %arg3[%dma_wait3A_79, %dma_wait3A_80] : memref<1000000x32xi32, #tpu.memory_space<hbm>> -> memref<1000000x32xi32, #tpu.memory_space<hbm>>
    tpu.wait_indirect_dma semaphore(%arg12 : memref<!tpu.dma_semaphore, #tpu.memory_space<semaphore_mem>>) src(%dma_wait3A_81 : memref<1000000x32xi32, #tpu.memory_space<hbm>>) dst(%arg8 : memref<1600x32xi32, #tpu.memory_space<vmem>>)
    %dma_start3A_82 = arith.constant 0 : i32
    %dma_start3A_83 = tpu.memref_slice %arg4[%add3A_69, %dma_start3A_82] : memref<819200x32xi32, #tpu.memory_space<hbm>> -> memref<1600x32xi32, #tpu.memory_space<hbm>>
    %dma_start3A_84 = arith.constant 0 : i32
    %dma_start3A_85 = tpu.memref_slice %arg4[%add3A_69, %dma_start3A_84] : memref<819200x32xi32, #tpu.memory_space<hbm>> -> memref<1600x32xi32, #tpu.memory_space<hbm>>
    tpu.enqueue_dma source(%arg8 : memref<1600x32xi32, #tpu.memory_space<vmem>>) target(%dma_start3A_85 : memref<1600x32xi32, #tpu.memory_space<hbm>>) target_semaphore(%arg14 : memref<!tpu.dma_semaphore, #tpu.memory_space<semaphore_mem>>)
    %add3A_86 = arith.constant 0 : i32
    %add3A_87 = arith.addi %mul3A_2, %add3A_86 : i32
    %dma_wait3A_88 = arith.constant 0 : i32
    %dma_wait3A_89 = tpu.memref_slice %arg4[%add3A_87, %dma_wait3A_88] : memref<819200x32xi32, #tpu.memory_space<hbm>> -> memref<1600x32xi32, #tpu.memory_space<hbm>>
    %dma_wait3A_90 = arith.constant 0 : i32
    %dma_wait3A_91 = tpu.memref_slice %arg4[%add3A_87, %dma_wait3A_90] : memref<819200x32xi32, #tpu.memory_space<hbm>> -> memref<1600x32xi32, #tpu.memory_space<hbm>>
    tpu.wait_dma2 semaphore(%arg13 : memref<!tpu.dma_semaphore, #tpu.memory_space<semaphore_mem>>) src(%arg7 : memref<1600x32xi32, #tpu.memory_space<vmem>>) dst(%dma_wait3A_91 : memref<1600x32xi32, #tpu.memory_space<hbm>>)
    %add3A_92 = arith.constant 1600 : i32
    %add3A_93 = arith.addi %mul3A_2, %add3A_92 : i32
    %dma_wait3A_94 = arith.constant 0 : i32
    %dma_wait3A_95 = tpu.memref_slice %arg4[%add3A_93, %dma_wait3A_94] : memref<819200x32xi32, #tpu.memory_space<hbm>> -> memref<1600x32xi32, #tpu.memory_space<hbm>>
    %dma_wait3A_96 = arith.constant 0 : i32
    %dma_wait3A_97 = tpu.memref_slice %arg4[%add3A_93, %dma_wait3A_96] : memref<819200x32xi32, #tpu.memory_space<hbm>> -> memref<1600x32xi32, #tpu.memory_space<hbm>>
    tpu.wait_dma2 semaphore(%arg14 : memref<!tpu.dma_semaphore, #tpu.memory_space<semaphore_mem>>) src(%arg8 : memref<1600x32xi32, #tpu.memory_space<vmem>>) dst(%dma_wait3A_97 : memref<1600x32xi32, #tpu.memory_space<hbm>>)
    return
  }
}

</mosaic_0001>

<sc_bundles>
// kernel: kernel.3.cloned.1.call-start
scs
__scs_entry_jumppad:
0x0: {  	(pc) =	sbr.rel $0x88, $3  }
0x1: {  	(tag) =	ssettag $0x0;
	lr =	simm.s32 $0x1  }
0x2: {  	[smem:$0x3F9F] =	sst lr;
	_ =	strace $0xD0000000  }
0x3: {  	_ = 	snop  }
0x4: {  	_ = 	snop  }
0x5: {  	_ = 	snop  }
0x6: {  	_ = 	snop  }
0x7: {  	_ = 	snop  }
__scs_overlays_trampoline_lowered:
0x8: {  	[smem:$0x3FAE] =	sst s0  }
0x9: {  	[smem:$0x3FAF] =	sst s1  }
0xa: {  	[smem:$0x3FB0] =	sst s2  }
0xb: {  	[smem:$0x3FB1] =	sst s3  }
0xc: {  	[smem:$0x3FB2] =	sst s4  }
0xd: {  	[smem:$0x3FB3] =	sst s5  }
0xe: {  	[smem:$0x3FB4] =	sst s6  }
0xf: {  	[smem:$0x3FB5] =	sst s7  }
0x10: {  	[smem:$0x3FB6] =	sst s8  }
0x11: {  	[smem:$0x3FB7] =	sst s9;
	s0 =	simm.s32 @!p0 $0x0  }
0x12: {  	s1 =	sld [smem:$0x3F9D];
	s0 =	simm.s32 @p0 $0x1  }
0x13: {  	[smem:$0x3FB8] =	sst s0;
	s0 =	simm.s32 @!p1 $0x0  }
0x14: {  	s2 =	sld [smem:$0x3F9C];
	s0 =	simm.s32 @p1 $0x1  }
0x15: {  	[smem:$0x3FB9] =	sst s0;
	s0 =	simm.s32 @!p2 $0x0  }
0x16: {  	s3 =	sld [smem:$0x3FDB];
	s0 =	simm.s32 @p2 $0x1  }
0x17: {  	s4 =	simm.s32 $0x1BF5;
	[smem:$0x3FBB] =	sst s0  }
0x18: {  	s0 =	sld [smem:$0x3F9E];
	_ =	swait.ge [sflag:s4], $0x0  }
0x19: {  	s7 =	sld [smem:$0x3F9F]  }
0x1a: {  	s8 =	sadd.s32 $0xFFFFE003, lr  }
0x1b: {  	s9 =	sadd.s32 $0xFFFFFEF7, lr;
	s5 =	simm.s32 $0xFFFFFFFF;
	p2 =	slt.u32 s8, $0xFFFFF086  }
0x1c: {  	p1 =	slt.u32 s9, $0xF7A;
	s5 =	simm.s32 @!p2 $0x0  }
0x1d: {  	s5 =	simm.s32 @p1 $0x1;
	p0 =	seq.s32 s7, s2  }
0x1e: {  	s7 =	smul.u32 @!p0 $0xF7A, s2;
	p2 =	seq.s32 @!p0 s5, $0x0  }
0x1f: {  	s9 =	smul.u32 $0xF7A, s1;
	s8 =	simm.s32 @!p0 $0x1BF5;
	p2 =	por !p2, p0  }
0x20: {  	[sflag:s8] =	ssyncset.s32 @!p0 $0xFFFFF086;
	s6 =	sadd.s32 @!p0 s3, s7;
	s7 =	simm.s32 @!p0 $0x108  }
0x21: {  	s3 =	sadd.s32 s3, s9;
	s6 =	sadd.s32 @!p0 $0x88, s6;
	s7 =	simm.s32 @p2 $0x1082  }
0x22: {  	[simem:s7], [sflag:s8] =	dma.local @!p0 [hbm:s6], $0xF7A  }
0x23: {  	s9 =	sor.u32 $0xD0000000, s2;
	s6 =	simm.s32 $0x108;
	_ =	swait.ge @!p0 [sflag:s8], $0x0  }
0x24: {  	s3 =	sadd.s32 $0x88, s3;
	s6 =	simm.s32 @!p1 $0x1082;
	[sflag:s4] =	ssyncset.s32 $0xFFFFF086  }
0x25: {  	[simem:s6], [sflag:s4] =	dma.local [hbm:s3], $0xF7A  }
0x26: {  	[smem:$0x3F9F] =	sst s1;
	(tag) =	ssettag s2;
	_ =	strace s9  }
0x27: {  	s1 =	sld [smem:$0x3FAF]  }
0x28: {  	s2 =	sld [smem:$0x3FB0]  }
0x29: {  	s4 =	sld [smem:$0x3FB2]  }
0x2a: {  	p0 =	seq.s32 s5, $0x0;
	s5 =	sld [smem:$0x3FB3]  }
0x2b: {  	s6 =	sld [smem:$0x3FB4]  }
0x2c: {  	s7 =	sld [smem:$0x3FB5]  }
0x2d: {  	s3 =	simm.s32 $0x108;
	s8 =	sld [smem:$0x3FB6]  }
0x2e: {  	s3 =	simm.s32 @!p0 $0x1082;
	s9 =	sld [smem:$0x3FB7]  }
0x2f: {  	lr =	sadd.s32 s0, s3;
	s0 =	sld [smem:$0x3FAE]  }
0x30: {  	s3 =	sld [smem:$0x3FB1]  }
0x31: {  	[smem:$0x3FBA] =	sst s10  }
0x32: {  	s10 =	sld [smem:$0x3FB8];
	_ =	sdelay $0x3  }
0x33: {  	p0 =	seq.s32 s10, $0x1;
	s10 =	sld [smem:$0x3FBA];
	_ =	sdelay $0x3  }
0x34: {  	[smem:$0x3FBA] =	sst s10  }
0x35: {  	s10 =	sld [smem:$0x3FB9];
	_ =	sdelay $0x3  }
0x36: {  	p1 =	seq.s32 s10, $0x1;
	s10 =	sld [smem:$0x3FBA];
	_ =	sdelay $0x3  }
0x37: {  	[smem:$0x3FBA] =	sst s10  }
0x38: {  	s10 =	sld [smem:$0x3FBB]  }
0x39: {  	_ = 	snop;
	(pc) =	sbr.ind lr, $3  }
0x3a: {  	_ = 	snop  }
0x3b: {  	_ = 	snop  }
0x3c: {  	p2 =	seq.s32 s10, $0x1;
	s10 =	sld [smem:$0x3FBA]  }
0x3d: {  	_ =	shalt  }
0x3e: {  	_ =	shalt  }
0x3f: {  	_ =	shalt  }
0x40: {  	_ =	shalt  }
0x41: {  	_ =	shalt  }
0x42: {  	_ =	shalt  }
0x43: {  	_ =	shalt  }
0x44: {  	_ =	shalt  }
0x45: {  	_ =	shalt  }
0x46: {  	_ =	shalt  }
0x47: {  	_ =	shalt  }
0x48: {  	_ =	shalt  }
0x49: {  	_ =	shalt  }
0x4a: {  	_ =	shalt  }
0x4b: {  	_ =	shalt  }
0x4c: {  	_ =	shalt  }
0x4d: {  	_ =	shalt  }
0x4e: {  	_ =	shalt  }
0x4f: {  	_ =	shalt  }
0x50: {  	_ =	shalt  }
0x51: {  	_ =	shalt  }
0x52: {  	_ =	shalt  }
0x53: {  	_ =	shalt  }
0x54: {  	_ =	shalt  }
0x55: {  	_ =	shalt  }
0x56: {  	_ =	shalt  }
0x57: {  	_ =	shalt  }
0x58: {  	_ =	shalt  }
0x59: {  	_ =	shalt  }
0x5a: {  	_ =	shalt  }
0x5b: {  	_ =	shalt  }
0x5c: {  	_ =	shalt  }
0x5d: {  	_ =	shalt  }
0x5e: {  	_ =	shalt  }
0x5f: {  	_ =	shalt  }
0x60: {  	_ =	shalt  }
0x61: {  	_ =	shalt  }
0x62: {  	_ =	shalt  }
0x63: {  	_ =	shalt  }
0x64: {  	_ =	shalt  }
0x65: {  	_ =	shalt  }
0x66: {  	_ =	shalt  }
0x67: {  	_ =	shalt  }
0x68: {  	_ =	shalt  }
0x69: {  	_ =	shalt  }
0x6a: {  	_ =	shalt  }
0x6b: {  	_ =	shalt  }
0x6c: {  	_ =	shalt  }
0x6d: {  	_ =	shalt  }
0x6e: {  	_ =	shalt  }
0x6f: {  	_ =	shalt  }
0x70: {  	_ =	shalt  }
0x71: {  	_ =	shalt  }
0x72: {  	_ =	shalt  }
0x73: {  	_ =	shalt  }
0x74: {  	_ =	shalt  }
0x75: {  	_ =	shalt  }
0x76: {  	_ =	shalt  }
0x77: {  	_ =	shalt  }
0x78: {  	_ =	shalt  }
0x79: {  	_ =	shalt  }
0x7a: {  	_ =	shalt  }
0x7b: {  	_ =	shalt  }
0x7c: {  	_ =	shalt  }
0x7d: {  	_ =	shalt  }
0x7e: {  	_ =	shalt  }
0x7f: {  	_ =	shalt  }
0x80: {  	_ =	shalt  }
0x81: {  	_ =	shalt  }
0x82: {  	_ =	shalt  }
0x83: {  	_ =	shalt  }
0x84: {  	_ =	shalt  }
0x85: {  	_ =	shalt  }
0x86: {  	_ =	shalt  }
0x87: {  	_ =	shalt  }
.Lfunc_end0:
.L_simem_size_0:
called_computation.3_lowered:
.L_overlay_start_0:
0x88: {  	s2 =	sld [smem:$0x3FD9]  }
0x89: {  	s3 =	sld [smem:$0x3FFE];
	_ =	sdelay $0x1  }
0x8a: {  	s1 =	srdreg.scid  }
0x8b: {  	s0 =	sand.u32 $0x1, s1  }
0x8c: {  	s17 =	sshll.u32 s0, $0xA;
	s2 =	sadd.s32 s3, s2  }
0x8d: {  	s2 =	sadd.s32 s2, s17  }
0x8e: {  	[smem:$0x3FC6] =	sst s2  }
0x8f: {  	_ = 	snop  }
0x90: {  	s2 =	sld [smem:$0x3FD0];
	(tm) =	ssettm $0x1  }
0x91: {  	s18 =	sld [smem:$0x3FFB];
	_ =	sdelay $0x3  }
0x92: {  	_ =	strace s18  }
0x93: {  	s3 =	sld [smem:$0x3FFC];
	_ =	sdelay $0x3  }
0x94: {  	_ =	strace s3  }
0x95: {  	s3 =	sld [smem:$0x3FFD];
	_ =	sdelay $0x3  }
0x96: {  	_ =	strace s3  }
0x97: {  	_ =	strace $0x8FFFFFFF  }
0x98: {  	s19 =	sld [smem:$0x3FDB];
	_ =	sdelay $0x1  }
0x99: {  	s4 =	simm.s32 $_scs_section_size  }
0x9a: {  	s5 =	simm.s32 $_size__tile_overlayer_lowered;
	s6 =	simm.s32 $_tile_overlayer_lowered  }
0x9b: {  	s22 =	simm.s32 $0x1BFF;
	s21 =	sshll.u32 s6, $0x1;
	s3 =	sadd.s32 s4, s19  }
0x9c: {  	s7 =	simm.s32 $0x0;
	s20 =	sshll.u32 s5, $0x1;
	s5 =	sadd.s32 s21, s3  }
0x9d: {  	[timem:s7], [sflag:s22] =	dma.local [hbm:s5], s20  }
0x9e: {  	_ =	swait.ge [sflag:s22], s20  }
0x9f: {  	s4 =	ssub.s32 $0x0, s20;
	[sflag:s22] =	ssyncset.done $0x0  }
0xa0: {  	[sflag:s22] =	ssyncadd.s32 s4;
	_ =	sdelay $0x1  }
0xa1: {  	s23 =	simm.s32 $0x1B8B  }
0xa2: {  	_ =	swait.ge [sflag:s23], $0x1  }
0xa3: {  	[sflag:s23] =	ssyncset.done $0x0  }
0xa4: {  	s25 =	simm.s32 $0x1B8E;
	s24 =	sld [smem:$0x3FFE];
	[sflag:s23] =	ssyncadd.s32 $0xFFFFFFFF  }
0xa5: {  	s26 =	simm.s32 $execute0_lowered;
	[smem:$0x3FD2] =	sst s25  }
0xa6: {  	s5 =	sshll.u32 s26, $0x1;
	_ =	strace $0x80000049;
	[dreg:$0x1] =	wrdreg $0xFFFFFFFF  }
0xa7: {  	s28 =	simm.s32 $_size_execute0_lowered;
	s3 =	sadd.s32 s3, s5;
	[dreg:$0x0] =	wrdreg $0x0  }
0xa8: {  	s5 =	sshll.u32 s28, $0x1;
	[dreg:$0x2] =	wrdreg s3  }
0xa9: {  	[dreg:$0x3] =	wrdreg s5  }
0xaa: {  	[dreg:$0x4] =	wrdreg $0xC0  }
0xab: {  	_ =	task [dreg:s7], $0x5FFFF  }
0xac: {  	[dreg:$0x1] =	wrdreg $0xFFFFFFFF  }
0xad: {  	[dreg:$0x0] =	wrdreg $0x60  }
0xae: {  	[dreg:$0x2] =	wrdreg s24  }
0xaf: {  	[dreg:$0x3] =	wrdreg s2  }
0xb0: {  	[dreg:$0x4] =	wrdreg $0x9  }
0xb1: {  	_ =	task.clear_ibuf [dreg:s7], $0x5FFFF;
	_ =	strace $0x90000049  }
0xb2: {  	s29 =	simm.s32 $0x9;
	_ =	strace $0x8000004B  }
0xb3: {  	_ =	swait.ge [sflag:s29], $0x1  }
0xb4: {  	[sflag:s29] =	ssyncadd.s32 $0xFFFFFFFF  }
0xb5: {  	_ =	strace $0x9000004B  }
0xb6: {  	_ =	sfence  }
0xb7: {  	s30 =	sld [smem:$0x0];
	_ =	sdelay $0x2  }
0xb8: {  	s31 =	sshll.u32 s1, $0xD;
	s1 =	sshrl.u32 s1, $0x2  }
0xb9: {  	s3 =	sand.u32 $0x4000, s31;
	s1 =	sadd.s32 s1, s30  }
0xba: {  	s0 =	sor.u32 s3, s0;
	s1 =	sshll.u32 s1, $0x11  }
0xbb: {  	s0 =	sor.u32 s1, s0  }
0xbc: {  	s0 =	sadd.s32 $0x8F2B, s0  }
0xbd: {  	[sflag:s0] =	ssyncadd.remote.s32 $0x1  }
0xbe: {  	_ =	sfence.sel $0xFFFF  }
0xbf: {  	[dreg:$0x0] =	wrdreg $0xFFFFFFFF;
	(pc) =	sbr.abs _section_cstart, $3  }
0xc0: {  	[dreg:$0x1] =	wrdreg $0xFFFFFFFF  }
0xc1: {  	_ =	task.clear_ibuf [dreg:s7], $0x2FFFF;
	_ =	strace $0x9FFFFFFF  }
0xc2: {  	(tm) =	ssettm $0x7FFFFFFF  }
0xc3: {  	_ =	shalt  }
tec
execute0_lowered:
.L_overlay_start_1:
0x0: {  	(tag) =	ssettag $0x1  }
0x1: {  	s3 =	rddreg [dreg:$0x0];
	s1 =	srdreg.scid  }
0x2: {  	s0 =	stileid.u32;
	s13 =	rddreg [dreg:$0x1];
	s2 =	simm.s32 $0x0  }
0x3: {  	s19 =	simm.s32 $0xC80;
	s20 =	simm.s32 $0x3;
	s21 =	simm.s32 $0x2  }
0x4: {  	s22 =	simm.s32 $0xD480;
	s23 =	simm.s32 $0x4;
	s24 =	simm.s32 $0x5  }
0x5: {  	s8 =	sand.u32 $0x1, s1;
	s4 =	sshll.u32 s0, $0x1;
	s14 =	smul.u32 $0xC800, s0  }
0x6: {  	s25 =	simm.s32 $0x6;
	s6 =	sor.u32 s8, s4;
	s15 =	smul.u32 $0x6400, s8  }
0x7: {  	[smem:$0x7FF] =	sst s2;
	s16 =	sadd.s32 $0x1000, s3;
	s5 =	smul.u32 $0x6400, s6  }
0x8: {  	s3 =	sadd.s32 $0x1A000, s3;
	s26 =	ssub.s32 $0x2, s8;
	s30 =	smul.u32 $0x19000, s6  }
0x9: {  	_ =	strace $0x8000004A;
	s7 =	sshrl.u32 s26, $0x1;
	s10 =	smul.u32 $0xC8000, s6  }
0xa: {  	s12 =	ssub.s32 s26, s7;
	s14 =	sadd.s32 s15, s14;
	s26 =	simm.s32 $0x0  }
0xb: {  	s9 =	sadd.s32 $0x640, s5;
	s28 =	sshrl.u32 s5, $0x3;
	s7 =	sadd.s32 s13, s30  }
0xc: {  	s10 =	sshrl.u32 s10, $0x3;
	s12 =	smax.u32 s12, $0x1;
	s15 =	sshll.u32 s14, $0x2  }
0xd: {  	s17 =	sadd.s32 $0x1F40, s14;
	s18 =	sadd.s32 $0x1900, s14;
	s29 =	sshrl.u32 s9, $0x3  }
0xe: {  	s4 =	sadd.s32 s16, s28;
	s9 =	sshll.u32 s9, $0x2;
	s11 =	sadd.s32 s13, s10  }
0xf: {  	s15 =	sadd.s32 s13, s15;
	s17 =	sshrl.u32 s17, $0x3;
	s31 =	sshrl.u32 s18, $0x3  }
0x10: {  	s18 =	simm.s32 $0x1;
	s5 =	sadd.s32 s16, s29;
	s6 =	sadd.s32 $0x190, s4  }
0x11: {  	s8 =	sadd.s32 $0x258, s4;
	s9 =	sadd.s32 s13, s9;
	s10 =	sadd.s32 $0x15E00, s11  }
0x12: {  	s11 =	sadd.s32 $0x17700, s11;
	s13 =	sadd.s32 $0x4B00, s15;
	s14 =	sadd.s32 s17, s16  }
0x13: {  	s15 =	sadd.s32 $0x3200, s15;
	s16 =	sadd.s32 s31, s16;
	s17 =	simm.s32 $0x640  }
.LBB2_1:
0x14: {  	[tilespmem:s2], [sflag:$0x1] =	stream.linear.gather [hbm4b:s4+s2], $0x640, $0x38;
	[tilespmem:$0x19C80] =	vst v63  }
0x15: {  	_ = 	snop  }
0x16: {  	[tilespmem:s17], [sflag:$0x2] =	stream.linear.gather [hbm4b:s5+s2], $0x640, $0x38;
	[tilespmem:$0x19C80] =	vst v63  }
0x17: {  	_ =	swait.ge [sflag:s18], $0x640  }
0x18: {  	[sflag:s18] =	ssyncset.done $0x0  }
0x19: {  	[sflag:s18] =	ssyncadd.s32 $0xFFFFF9C0  }
0x1a: {  	[tilespmem:s19], [sflag:$0x3] =	stream.indirect.gather [hbm4b:s3+s17], $0x20, s2, s17, $0xb8;
	[tilespmem:$0x19C80] =	vst v63  }
0x1b: {  	_ =	swait.ge [sflag:s20], $0xC800  }
0x1c: {  	[sflag:s20] =	ssyncset.done $0x0  }
0x1d: {  	[sflag:s20] =	ssyncadd.s32 $0xFFFF3800  }
0x1e: {  	[tilespmem:s2], [sflag:$0x1] =	stream.linear.gather [hbm4b:s6+s2], $0x640, $0x38;
	[tilespmem:$0x19C80] =	vst v63  }
0x1f: {  	_ = 	snop  }
0x20: {  	[hbm4b:s7+s2] =	stream.linear.scatter [tilespmem:s19], [sflag:$0x5], $0xC800, $0x38;
	[tilespmem:$0x19C80] =	vst v63  }
0x21: {  	_ =	swait.ge [sflag:s21], $0x640  }
0x22: {  	[sflag:s21] =	ssyncset.done $0x0  }
0x23: {  	[sflag:s21] =	ssyncadd.s32 $0xFFFFF9C0  }
0x24: {  	[tilespmem:s22], [sflag:$0x4] =	stream.indirect.gather [hbm4b:s3+s17], $0x20, s17, s17, $0xb8;
	[tilespmem:$0x19C80] =	vst v63  }
0x25: {  	_ =	swait.ge [sflag:s23], $0xC800  }
0x26: {  	[sflag:s23] =	ssyncset.done $0x0  }
0x27: {  	[sflag:s23] =	ssyncadd.s32 $0xFFFF3800  }
0x28: {  	[tilespmem:s17], [sflag:$0x2] =	stream.linear.gather [hbm4b:s8+s2], $0x640, $0x38;
	[tilespmem:$0x19C80] =	vst v63  }
0x29: {  	_ = 	snop  }
0x2a: {  	[hbm4b:s9+s2] =	stream.linear.scatter [tilespmem:s22], [sflag:$0x6], $0xC800, $0x38;
	[tilespmem:$0x19C80] =	vst v63  }
0x2b: {  	_ =	swait.ge [sflag:s24], $0xC800  }
0x2c: {  	[sflag:s24] =	ssyncset.done $0x0  }
0x2d: {  	[sflag:s24] =	ssyncadd.s32 $0xFFFF3800  }
0x2e: {  	_ =	swait.ge [sflag:s18], $0x640  }
0x2f: {  	[sflag:s18] =	ssyncset.done $0x0  }
0x30: {  	[sflag:s18] =	ssyncadd.s32 $0xFFFFF9C0  }
0x31: {  	[tilespmem:s19], [sflag:$0x3] =	stream.indirect.gather [hbm4b:s3+s17], $0x20, s2, s17, $0xb8;
	[tilespmem:$0x19C80] =	vst v63  }
0x32: {  	_ =	swait.ge [sflag:s20], $0xC800  }
0x33: {  	[sflag:s20] =	ssyncset.done $0x0  }
0x34: {  	s28 =	sadd.s32 $0x0, s16;
	[sflag:s20] =	ssyncadd.s32 $0xFFFF3800  }
0x35: {  	[tilespmem:s2], [sflag:$0x1] =	stream.linear.gather [hbm4b:s28+s2], $0x640, $0x38;
	[tilespmem:$0x19C80] =	vst v63  }
0x36: {  	_ = 	snop  }
0x37: {  	[hbm4b:s15+s2] =	stream.linear.scatter [tilespmem:s19], [sflag:$0x5], $0xC800, $0x38;
	[tilespmem:$0x19C80] =	vst v63  }
0x38: {  	_ =	swait.ge [sflag:s25], $0xC800  }
0x39: {  	[sflag:s25] =	ssyncset.done $0x0  }
0x3a: {  	[sflag:s25] =	ssyncadd.s32 $0xFFFF3800  }
0x3b: {  	_ =	swait.ge [sflag:s21], $0x640  }
0x3c: {  	[sflag:s21] =	ssyncset.done $0x0  }
0x3d: {  	[sflag:s21] =	ssyncadd.s32 $0xFFFFF9C0  }
0x3e: {  	[tilespmem:s22], [sflag:$0x4] =	stream.indirect.gather [hbm4b:s3+s17], $0x20, s17, s17, $0xb8;
	[tilespmem:$0x19C80] =	vst v63  }
0x3f: {  	_ =	swait.ge [sflag:s23], $0xC800  }
0x40: {  	[sflag:s23] =	ssyncset.done $0x0  }
0x41: {  	s29 =	sadd.s32 $0x3200, s13;
	s28 =	sadd.s32 $0x0, s14;
	[sflag:s23] =	ssyncadd.s32 $0xFFFF3800  }
0x42: {  	[tilespmem:s17], [sflag:$0x2] =	stream.linear.gather [hbm4b:s28+s2], $0x640, $0x38;
	[tilespmem:$0x19C80] =	vst v63  }
0x43: {  	s30 =	sadd.s32 $0x3200, s15;
	s31 =	smov.u32 s13;
	s28 =	simm.s32 $0x190  }
.LBB2_2:
0x44: {  	[hbm4b:s31+s2] =	stream.linear.scatter [tilespmem:s22], [sflag:$0x6], $0xC800, $0x38;
	[tilespmem:$0x19C80] =	vst v63  }
0x45: {  	s1 =	smov.u32 s28;
	s31 =	smov.u32 s29  }
0x46: {  	p0 =	sne.s32 s28, $0x7D0;
	s28 =	sadd.s32 $0x190, s28;
	_ =	swait.ge [sflag:s24], $0xC800  }
0x47: {  	[sflag:s24] =	ssyncset.done $0x0  }
0x48: {  	[sflag:s24] =	ssyncadd.s32 $0xFFFF3800  }
0x49: {  	_ =	swait.ge [sflag:s18], $0x640  }
0x4a: {  	[sflag:s18] =	ssyncset.done $0x0  }
0x4b: {  	[sflag:s18] =	ssyncadd.s32 $0xFFFFF9C0  }
0x4c: {  	[tilespmem:s19], [sflag:$0x3] =	stream.indirect.gather [hbm4b:s3+s17], $0x20, s2, s17, $0xb8;
	[tilespmem:$0x19C80] =	vst v63  }
0x4d: {  	_ =	swait.ge [sflag:s20], $0xC800  }
0x4e: {  	[sflag:s20] =	ssyncset.done $0x0  }
0x4f: {  	s0 =	sadd.s32 s1, s16;
	[sflag:s20] =	ssyncadd.s32 $0xFFFF3800  }
0x50: {  	[tilespmem:s2], [sflag:$0x1] =	stream.linear.gather [hbm4b:s0+s2], $0x640, $0x38;
	[tilespmem:$0x19C80] =	vst v63  }
0x51: {  	_ = 	snop  }
0x52: {  	[hbm4b:s30+s2] =	stream.linear.scatter [tilespmem:s19], [sflag:$0x5], $0xC800, $0x38;
	[tilespmem:$0x19C80] =	vst v63  }
0x53: {  	_ =	swait.ge [sflag:s25], $0xC800  }
0x54: {  	[sflag:s25] =	ssyncset.done $0x0  }
0x55: {  	[sflag:s25] =	ssyncadd.s32 $0xFFFF3800  }
0x56: {  	_ =	swait.ge [sflag:s21], $0x640  }
0x57: {  	[sflag:s21] =	ssyncset.done $0x0  }
0x58: {  	[sflag:s21] =	ssyncadd.s32 $0xFFFFF9C0  }
0x59: {  	[tilespmem:s22], [sflag:$0x4] =	stream.indirect.gather [hbm4b:s3+s17], $0x20, s17, s17, $0xb8;
	[tilespmem:$0x19C80] =	vst v63  }
.Ltmp0:
0x5a: {  	_ =	swait.ge [sflag:s23], $0xC800;
	(pc) =	sbr.rel @p0 .LBB2_2-.Ltmp0, $4  }
0x5b: {  	[sflag:s23] =	ssyncset.done $0x0  }
0x5c: {  	s0 =	sadd.s32 s1, s14;
	[sflag:s23] =	ssyncadd.s32 $0xFFFF3800  }
0x5d: {  	[tilespmem:s17], [sflag:$0x2] =	stream.linear.gather [hbm4b:s0+s2], $0x640, $0x38;
	[tilespmem:$0x19C80] =	vst v63  }
0x5e: {  	s29 =	sadd.s32 $0x3200, s29;
	s30 =	sadd.s32 $0x3200, s30  }
0x5f: {  	[hbm4b:s31+s2] =	stream.linear.scatter [tilespmem:s22], [sflag:$0x6], $0xC800, $0x38;
	[tilespmem:$0x19C80] =	vst v63  }
0x60: {  	_ =	swait.ge [sflag:s24], $0xC800  }
0x61: {  	[sflag:s24] =	ssyncset.done $0x0  }
0x62: {  	[sflag:s24] =	ssyncadd.s32 $0xFFFF3800  }
0x63: {  	_ =	swait.ge [sflag:s18], $0x640  }
0x64: {  	[sflag:s18] =	ssyncset.done $0x0  }
0x65: {  	[sflag:s18] =	ssyncadd.s32 $0xFFFFF9C0  }
0x66: {  	[tilespmem:s19], [sflag:$0x3] =	stream.indirect.gather [hbm4b:s3+s17], $0x20, s2, s17, $0xb8;
	[tilespmem:$0x19C80] =	vst v63  }
0x67: {  	_ =	swait.ge [sflag:s20], $0xC800  }
0x68: {  	[sflag:s20] =	ssyncset.done $0x0  }
0x69: {  	[sflag:s20] =	ssyncadd.s32 $0xFFFF3800  }
0x6a: {  	[hbm4b:s10+s2] =	stream.linear.scatter [tilespmem:s19], [sflag:$0x5], $0xC800, $0x38;
	[tilespmem:$0x19C80] =	vst v63  }
0x6b: {  	_ =	swait.ge [sflag:s25], $0xC800  }
0x6c: {  	[sflag:s25] =	ssyncset.done $0x0  }
0x6d: {  	[sflag:s25] =	ssyncadd.s32 $0xFFFF3800  }
0x6e: {  	_ =	swait.ge [sflag:s21], $0x640  }
0x6f: {  	[sflag:s21] =	ssyncset.done $0x0  }
0x70: {  	[sflag:s21] =	ssyncadd.s32 $0xFFFFF9C0  }
0x71: {  	[tilespmem:s22], [sflag:$0x4] =	stream.indirect.gather [hbm4b:s3+s17], $0x20, s17, s17, $0xb8;
	[tilespmem:$0x19C80] =	vst v63  }
0x72: {  	_ =	swait.ge [sflag:s23], $0xC800  }
0x73: {  	[sflag:s23] =	ssyncset.done $0x0  }
0x74: {  	s26 =	sadd.s32 $0x1, s26;
	[sflag:s23] =	ssyncadd.s32 $0xFFFF3800  }
0x75: {  	[hbm4b:s11+s2] =	stream.linear.scatter [tilespmem:s22], [sflag:$0x6], $0xC800, $0x38;
	[tilespmem:$0x19C80] =	vst v63  }
0x76: {  	p0 =	sne.s32 s26, s12;
	_ =	swait.ge [sflag:s24], $0xC800  }
.Ltmp1:
0x77: {  	[sflag:s24] =	ssyncset.done $0x0;
	(pc) =	sbr.rel @p0 .LBB2_1-.Ltmp1, $4  }
0x78: {  	[sflag:s24] =	ssyncadd.s32 $0xFFFF3800  }
0x79: {  	_ =	swait.ge [sflag:s25], $0xC800  }
0x7a: {  	[sflag:s25] =	ssyncset.done $0x0  }
0x7b: {  	[sflag:s25] =	ssyncadd.s32 $0xFFFF3800  }
0x7c: {  	_ =	sfence.sel $0x180000  }
0x7d: {  	[bflag:$0x0] =	sbarrier.arrive $0xFFFF  }
0x7e: {  	_ =	strace $0x9000004A  }
0x7f: {  	s0 =	stileid.u32;
	[bflag:$0x2] =	sbarrier.arrive $0xFFFF  }
0x80: {  	p0 =	sne.s32 s0, $0x0;
	s0 =	rddreg [dreg:$0x2]  }
0x81: {  	s0 =	sadd.s32 @!p0 $0x100000, s0  }
0x82: {  	[sflag:s0] =	ssyncadd.tile.s32 @!p0 $0x1;
	_ =	shalt  }
.Lfunc_end2:
_tile_overlayer_lowered:
.L_overlay_start_2:
0x83: {  	(tag) =	ssettag $0x2  }
0x84: {  	s0 =	rddreg [dreg:$0x0];
	s2 =	stileid.u32  }
0x85: {  	s1 =	rddreg [dreg:$0x1];
	p0 =	sne.s32 s2, $0x0  }
0x86: {  	s3 =	rddreg [dreg:$0x2];
	[bflag:$0x3] =	sbarrier.arrive $0xFFFF;
	s2 =	simm.s32 @!p0 $0x1C07  }
0x87: {  	[timem:s3], [sflag:s2] =	dma.local @!p0 [hbm:s0], s1  }
0x88: {  	s0 =	simm.s32 @!p0 $0x7  }
0x89: {  	_ =	swait.ge @!p0 [sflag:s0], s1  }
0x8a: {  	s1 =	ssub.s32 @!p0 $0x0, s1;
	[sflag:s0] =	ssyncset.done @!p0 $0x0  }
0x8b: {  	[sflag:s0] =	ssyncadd.s32 @!p0 s1  }
0x8c: {  	[bflag:$0x3] =	sbarrier.arrive $0xFFFF  }
0x8d: {  	_ =	shalt  }

// kernel: sparse-core-data-format-call.1.cloned.1.call-start
scs
called_computation.1_lowered:
.L_overlay_start_0:
0x0: {  	s2 =	sld [smem:$0x3FD9]  }
0x1: {  	s3 =	sld [smem:$0x3FFE];
	_ =	sdelay $0x1  }
0x2: {  	s1 =	srdreg.scid  }
0x3: {  	s0 =	sand.u32 $0x1, s1  }
0x4: {  	s18 =	sshll.u32 s0, $0xA;
	s2 =	sadd.s32 s3, s2  }
0x5: {  	s2 =	sadd.s32 s2, s18  }
0x6: {  	[smem:$0x3FC6] =	sst s2  }
0x7: {  	_ = 	snop  }
0x8: {  	s2 =	sld [smem:$0x3FD0];
	(tm) =	ssettm $0x1  }
0x9: {  	s19 =	sld [smem:$0x3FFB];
	_ =	sdelay $0x3  }
0xa: {  	_ =	strace s19  }
0xb: {  	s3 =	sld [smem:$0x3FFC];
	_ =	sdelay $0x3  }
0xc: {  	_ =	strace s3  }
0xd: {  	s3 =	sld [smem:$0x3FFD];
	_ =	sdelay $0x3  }
0xe: {  	_ =	strace s3  }
0xf: {  	_ =	strace $0x8FFFFFFF  }
0x10: {  	s20 =	sld [smem:$0x3FDB];
	_ =	sdelay $0x1  }
0x11: {  	s4 =	simm.s32 $_scs_section_size  }
0x12: {  	s5 =	simm.s32 $_size__tile_overlayer_lowered;
	s6 =	simm.s32 $_tile_overlayer_lowered  }
0x13: {  	s23 =	simm.s32 $0x1BFF;
	s22 =	sshll.u32 s6, $0x1;
	s3 =	sadd.s32 s4, s20  }
0x14: {  	s7 =	simm.s32 $0x0;
	s21 =	sshll.u32 s5, $0x1;
	s5 =	sadd.s32 s22, s3  }
0x15: {  	[timem:s7], [sflag:s23] =	dma.local [hbm:s5], s21  }
0x16: {  	_ =	swait.ge [sflag:s23], s21  }
0x17: {  	s4 =	ssub.s32 $0x0, s21;
	[sflag:s23] =	ssyncset.done $0x0  }
0x18: {  	[sflag:s23] =	ssyncadd.s32 s4;
	_ =	sdelay $0x1  }
0x19: {  	s24 =	simm.s32 $0x1B8B  }
0x1a: {  	_ =	swait.ge [sflag:s24], $0x1  }
0x1b: {  	[sflag:s24] =	ssyncset.done $0x0  }
0x1c: {  	s26 =	simm.s32 $0x1B8E;
	s25 =	sld [smem:$0x3FFE];
	[sflag:s24] =	ssyncadd.s32 $0xFFFFFFFF  }
0x1d: {  	s27 =	simm.s32 $execute0_lowered;
	[smem:$0x3FD2] =	sst s26  }
0x1e: {  	s5 =	sshll.u32 s27, $0x1;
	_ =	strace $0x8000004C;
	[dreg:$0x1] =	wrdreg $0xFFFFFFFF  }
0x1f: {  	s28 =	simm.s32 $_size_execute0_lowered;
	s3 =	sadd.s32 s3, s5;
	[dreg:$0x0] =	wrdreg $0x0  }
0x20: {  	s5 =	sshll.u32 s28, $0x1;
	[dreg:$0x2] =	wrdreg s3  }
0x21: {  	[dreg:$0x3] =	wrdreg s5  }
0x22: {  	[dreg:$0x4] =	wrdreg $0xC0  }
0x23: {  	_ =	task [dreg:s7], $0x5FFFF  }
0x24: {  	[dreg:$0x1] =	wrdreg $0xFFFFFFFF  }
0x25: {  	[dreg:$0x0] =	wrdreg $0x60  }
0x26: {  	[dreg:$0x2] =	wrdreg s25  }
0x27: {  	[dreg:$0x3] =	wrdreg s2  }
0x28: {  	[dreg:$0x4] =	wrdreg $0x9  }
0x29: {  	_ =	task.clear_ibuf [dreg:s7], $0x5FFFF;
	_ =	strace $0x9000004C  }
0x2a: {  	s29 =	simm.s32 $0x9;
	_ =	strace $0x8000004E  }
0x2b: {  	_ =	swait.ge [sflag:s29], $0x1  }
0x2c: {  	[sflag:s29] =	ssyncadd.s32 $0xFFFFFFFF  }
0x2d: {  	_ =	strace $0x9000004E  }
0x2e: {  	_ =	sfence  }
0x2f: {  	s30 =	sld [smem:$0x0];
	_ =	sdelay $0x2  }
0x30: {  	s31 =	sshll.u32 s1, $0xD;
	s1 =	sshrl.u32 s1, $0x2  }
0x31: {  	s3 =	sand.u32 $0x4000, s31;
	s1 =	sadd.s32 s1, s30  }
0x32: {  	s0 =	sor.u32 s3, s0;
	s1 =	sshll.u32 s1, $0x11  }
0x33: {  	s0 =	sor.u32 s1, s0  }
0x34: {  	s0 =	sadd.s32 $0x8F2B, s0  }
0x35: {  	[sflag:s0] =	ssyncadd.remote.s32 $0x1  }
0x36: {  	_ =	sfence.sel $0xFFFF  }
0x37: {  	[dreg:$0x0] =	wrdreg $0xFFFFFFFF;
	(pc) =	sbr.abs _section_cstart, $3  }
0x38: {  	[dreg:$0x1] =	wrdreg $0xFFFFFFFF  }
0x39: {  	_ =	task.clear_ibuf [dreg:s7], $0x2FFFF;
	_ =	strace $0x9FFFFFFF  }
0x3a: {  	(tm) =	ssettm $0x7FFFFFFF  }
0x3b: {  	_ =	shalt  }
tec
execute0_lowered:
.L_overlay_start_1:
0x0: {  	(tag) =	ssettag $0x1  }
0x1: {  	s0 =	srdreg.scid  }
0x2: {  	s1 =	sshll.u32 s0, $0x4  }
0x3: {  	s4 =	rddreg [dreg:$0x0];
	s0 =	stileid.u32;
	s1 =	sand.u32 $0x10, s1  }
0x4: {  	s2 =	rddreg [dreg:$0x1];
	s7 =	simm.s32 $0x1;
	s1 =	sor.u32 s0, s1  }
0x5: {  	s8 =	simm.s32 $0x2;
	s11 =	simm.s32 $0x0;
	s3 =	sshll.u32 s1, $0x7  }
0x6: {  	s10 =	simm.s32 $0x0;
	s4 =	sadd.s32 $0xC81000, s4;
	s6 =	ssub.s32 $0xC8000, s3  }
.Ltmp0:
0x7: {  	s1 =	rddreg [dreg:$0x2];
	s5 =	sand.u32 $0xF80, s6;
	(pc) =	sbr.rel .LBB1_1-.Ltmp0, $4  }
0x8: {  	_ =	strace $0x8000004D;
	s9 =	smov.u32 s3;
	p0 =	sne.s32 s5, $0x0  }
0x9: {  	s6 =	sshrl.u32 s6, $0xC;
	s5 =	simm.s32 $0x1;
	s7 =	simm.s32 @!p0 $0x0  }
0xa: {  	[sflag:s5] =	ssyncpa.u1 $0x0;
	p0 =	por $0x0, $0x0;
	s6 =	sadd.s32 s7, s6  }
0xb: {  	[sflag:s8] =	ssyncpa.u1 $0x0;
	s8 =	simm.s32 $0x640000;
	s7 =	sadd.s32 $0x1, s6  }
.LBB1_4:
0xc: {  	s14 =	sshll.u32 s11, $0x3  }
0xd: {  	s30 =	sand.u32 $0x7F, s11;
	s15 =	sand.u32 $0xFFFFFC00, s14  }
0xe: {  	s11 =	sor.u32 s30, s15  }
0xf: {  	s15 =	smulhi.u32 $0x51EB851F, s11  }
0x10: {  	s14 =	smulhi.u32 $0x51EB851F, s14  }
0x11: {  	s15 =	sshrl.u32 s15, $0x12  }
0x12: {  	s14 =	sshrl.u32 s14, $0x12;
	s15 =	smul.u32 $0xC8000, s15  }
0x13: {  	s14 =	sand.u32 $0x1F, s14  }
0x14: {  	s14 =	smul.u32 $0x19000, s14;
	s11 =	ssub.s32 s11, s15  }
0x15: {  	s15 =	sand.u32 $0x7, s11  }
0x16: {  	s14 =	sadd.s32 s2, s14;
	s11 =	sshrl.u32 s11, $0x3;
	s15 =	sshll.u32 s15, $0x12  }
0x17: {  	[tilespmem:s13+$0x0 ss:$0x81] =	vst.msk $0xffff, v0;
	s11 =	sadd.s32 s11, s14;
	s31 =	sor.u32 $0x400, s15  }
0x18: {  	[hbm4b:s11+s31] =	stream.strided.scatter [tilespmem:s12], [sflag:$0x2], $0x1000, s8, s31, $0x20;
	[tilespmem:$0x4040] =	vst v63  }
.LBB1_5:
0x19: {  	s13 =	sadd.s32 $0x1000, s9  }
0x1a: {  	p2 =	sgt.s32 s13, $0xC7FFF  }
0x1b: {  	s13 =	smov.u32 @p2 s3;
	p2 =	sne.s32 s10, s7  }
.Ltmp1:
0x1c: {  	p1 =	slt.u32 s10, $0x2;
	(pc) =	sbr.rel @!p2 .LBB1_6-.Ltmp1, $4  }
0x1d: {  	s12 =	simm.s32 @!p1 $0x2  }
0x1e: {  	s14 =	sadd.s32 $0x1, s10;
	_ =	swait.ge @!p1 [sflag:s12], $0x1000  }
0x1f: {  	s11 =	smov.u32 s9;
	p0 =	por !p0, !p0;
	[sflag:s12] =	ssyncset.done @!p1 $0x0  }
0x20: {  	s10 =	smov.u32 s14;
	s9 =	smov.u32 s13;
	[sflag:s12] =	ssyncadd.s32 @!p1 $0xFFFFF000  }
.LBB1_1:
0x21: {  	p1 =	sge.u32 s10, s6  }
0x22: {  	s12 =	sand.u32 @!p1 $0x1FFFFFF, s9  }
0x23: {  	s13 =	smulhi.u32 @!p1 $0x147AE15, s12;
	_ =	sdelay $0x1  }
0x24: {  	s13 =	sshrl.u32 @!p1 s13, $0xC  }
0x25: {  	s13 =	smul.u32 @!p1 $0xC8000, s13;
	_ =	sdelay $0x1  }
0x26: {  	s31 =	sadd.s32 $0xFFFFFFFF, s10;
	s14 =	sxor.u32 @!p1 $0xFFFFFFFF, s10;
	s12 =	ssub.s32 @!p1 s12, s13  }
0x27: {  	s15 =	simm.s32 @!p1 $0x80;
	s14 =	sshll.u32 @!p1 s14, $0xC;
	s12 =	sshll.u32 @!p1 s12, $0x4  }
0x28: {  	s13 =	sand.u32 @!p1 $0x1000, s14;
	s14 =	simm.s32 @!p1 $0x20;
	s12 =	sadd.s32 @!p1 s4, s12  }
0x29: {  	[tilespmem:s13], [sflag:$0x1] =	stream.strided.gather @!p1 [hbm4b:s12+s14], $0x1000, s15, s14, $0x38;
	[tilespmem:$0x4040] =	vst v63  }
0x2a: {  	p1 =	sge.u32 s31, s6  }
.Ltmp2:
0x2b: {  	_ = 	snop;
	(pc) =	sbr.rel @p1 .LBB1_5-.Ltmp2, $1  }
0x2c: {  	_ =	sdelay $0x3  }
0x2d: {  	s12 =	simm.s32 $0x1  }
0x2e: {  	_ =	swait.ge [sflag:s5], $0x1000;
	s12 =	simm.s32 @!p0 $0x0  }
0x2f: {  	[sflag:s5] =	ssyncset.done $0x0;
	s13 =	sshll.u32 s12, $0xC  }
0x30: {  	[sflag:s5] =	ssyncadd.s32 $0xFFFFF000;
	s16 =	sor.u32 $0x10, s13  }
0x31: {  	s12 =	smul.u32 $0x4080, s12;
	v1 =	vld [tilespmem:s16+$0x0]  }
0x32: {  	s30 =	sand.u32 $0x1, s10;
	v0 =	vld [tilespmem:s16+$0xFFFFFFF0]  }
0x33: {  	s13 =	smul.u32 $0x4080, s30;
	s12 =	sshrl.u32 s12, $0x2  }
0x34: {  	s14 =	sor.u32 $0x2000, s12  }
0x35: {  	s31 =	sshrl.u32 s13, $0x2;
	s13 =	sadd.s32 $0x0, s14  }
0x36: {  	s15 =	simm.s32 $0x4;
	s16 =	sadd.s32 $0x20, s16;
	s12 =	sor.u32 $0x2000, s31;
	[tilespmem:s13+$0x810 ss:$0x81] =	vst.msk $0xffff, v1  }
.LBB1_3:
0x37: {  	v1 =	vld [tilespmem:s16+$0x0];
	p1 =	sne.s32 s15, $0x1FC;
	[tilespmem:s13+$0x0 ss:$0x81] =	vst.msk $0xffff, v0;
	s13 =	smov.u32 s15;
	s15 =	sadd.s32 $0x4, s15  }
.Ltmp3:
0x38: {  	v0 =	vld [tilespmem:s16+$0xFFFFFFF0];
	(pc) =	sbr.rel @p1 .LBB1_3-.Ltmp3, $4  }
0x39: {  	_ = 	snop  }
0x3a: {  	s13 =	sshra.s32 s13, $0x2  }
0x3b: {  	s13 =	sadd.s32 s13, s14  }
0x3c: {  	s16 =	sadd.s32 $0x20, s16;
	[tilespmem:s13+$0x810 ss:$0x81] =	vst.msk $0xffff, v1  }
.Ltmp4:
0x3d: {  	_ = 	snop;
	(pc) =	sbr.rel .LBB1_4-.Ltmp4, $1  }
0x3e: {  	_ =	sdelay $0x3  }
.LBB1_6:
0x3f: {  	_ =	sfence.sel $0x180000  }
0x40: {  	s2 =	simm.s32 $0x1;
	[bflag:$0x0] =	sbarrier.arrive $0xFFFF  }
0x41: {  	s31 =	simm.s32 $0x2;
	[sflag:s2] =	ssyncpa.u1 $0x1  }
0x42: {  	[sflag:s31] =	ssyncpa.u1 $0x1  }
0x43: {  	p0 =	sne.s32 s0, $0x0;
	_ =	strace $0x9000004D  }
0x44: {  	s0 =	sadd.s32 @!p0 $0x100000, s1;
	[bflag:$0x2] =	sbarrier.arrive $0xFFFF  }
0x45: {  	[sflag:s0] =	ssyncadd.tile.s32 @!p0 $0x1;
	_ =	shalt  }
.Lfunc_end1:
_tile_overlayer_lowered:
.L_overlay_start_2:
0x46: {  	(tag) =	ssettag $0x2  }
0x47: {  	s0 =	rddreg [dreg:$0x0];
	s2 =	stileid.u32  }
0x48: {  	s1 =	rddreg [dreg:$0x1];
	p0 =	sne.s32 s2, $0x0  }
0x49: {  	s3 =	rddreg [dreg:$0x2];
	[bflag:$0x3] =	sbarrier.arrive $0xFFFF;
	s2 =	simm.s32 @!p0 $0x1C01  }
0x4a: {  	[timem:s3], [sflag:s2] =	dma.local @!p0 [hbm:s0], s1  }
0x4b: {  	s0 =	simm.s32 @!p0 $0x1  }
0x4c: {  	_ =	swait.ge @!p0 [sflag:s0], s1  }
0x4d: {  	s1 =	ssub.s32 @!p0 $0x0, s1;
	[sflag:s0] =	ssyncset.done @!p0 $0x0  }
0x4e: {  	[sflag:s0] =	ssyncadd.s32 @!p0 s1  }
0x4f: {  	[bflag:$0x3] =	sbarrier.arrive $0xFFFF  }
0x50: {  	_ =	shalt  }

// kernel: sparse-core-data-format-call.2.cloned.1.call-start
scs
called_computation.2_lowered:
.L_overlay_start_0:
0x0: {  	s1 =	sld [smem:$0x3FD9]  }
0x1: {  	s2 =	sld [smem:$0x3FFE];
	_ =	sdelay $0x1  }
0x2: {  	s3 =	srdreg.scid  }
0x3: {  	s0 =	sand.u32 $0x1, s3  }
0x4: {  	s17 =	sshll.u32 s0, $0xA;
	s1 =	sadd.s32 s2, s1  }
0x5: {  	s1 =	sadd.s32 s1, s17  }
0x6: {  	[smem:$0x3FC6] =	sst s1  }
0x7: {  	_ = 	snop  }
0x8: {  	(tm) =	ssettm $0x1  }
0x9: {  	s18 =	sld [smem:$0x3FFB];
	_ =	sdelay $0x3  }
0xa: {  	_ =	strace s18  }
0xb: {  	s1 =	sld [smem:$0x3FFC];
	_ =	sdelay $0x3  }
0xc: {  	_ =	strace s1  }
0xd: {  	s1 =	sld [smem:$0x3FFD];
	_ =	sdelay $0x3  }
0xe: {  	_ =	strace s1  }
0xf: {  	_ =	strace $0x8FFFFFFF  }
0x10: {  	s19 =	sld [smem:$0x3FDB];
	_ =	sdelay $0x1  }
0x11: {  	s20 =	simm.s32 $_scs_section_size  }
0x12: {  	s4 =	simm.s32 $_size__tile_overlayer_lowered;
	s5 =	simm.s32 $_tile_overlayer_lowered  }
0x13: {  	s23 =	simm.s32 $0x1BFF;
	s22 =	sshll.u32 s5, $0x1;
	s1 =	sadd.s32 s20, s19  }
0x14: {  	s6 =	simm.s32 $0x0;
	s21 =	sshll.u32 s4, $0x1;
	s4 =	sadd.s32 s22, s1  }
0x15: {  	[timem:s6], [sflag:s23] =	dma.local [hbm:s4], s21  }
0x16: {  	_ =	swait.ge [sflag:s23], s21  }
0x17: {  	s2 =	ssub.s32 $0x0, s21;
	[sflag:s23] =	ssyncset.done $0x0  }
0x18: {  	[sflag:s23] =	ssyncadd.s32 s2;
	_ =	sdelay $0x1  }
0x19: {  	s24 =	simm.s32 $0x1B8B  }
0x1a: {  	_ =	swait.ge [sflag:s24], $0x1  }
0x1b: {  	[sflag:s24] =	ssyncset.done $0x0  }
0x1c: {  	s26 =	simm.s32 $0x1B8E;
	s25 =	sld [smem:$0x3FFE];
	[sflag:s24] =	ssyncadd.s32 $0xFFFFFFFF  }
0x1d: {  	s27 =	simm.s32 $execute0_lowered;
	[smem:$0x3FD2] =	sst s26  }
0x1e: {  	s4 =	sshll.u32 s27, $0x1;
	_ =	strace $0x80000046;
	[dreg:$0x1] =	wrdreg $0xFFFFFFFF  }
0x1f: {  	s28 =	simm.s32 $_size_execute0_lowered;
	s1 =	sadd.s32 s1, s4;
	[dreg:$0x0] =	wrdreg $0x0  }
0x20: {  	s4 =	sshll.u32 s28, $0x1;
	[dreg:$0x2] =	wrdreg s1  }
0x21: {  	[dreg:$0x3] =	wrdreg s4  }
0x22: {  	[dreg:$0x4] =	wrdreg $0xC0  }
0x23: {  	_ =	task [dreg:s6], $0x5FFFF  }
0x24: {  	[dreg:$0x1] =	wrdreg $0xFFFFFFFF  }
0x25: {  	[dreg:$0x0] =	wrdreg $0x60  }
0x26: {  	[dreg:$0x2] =	wrdreg s25  }
0x27: {  	[dreg:$0x3] =	wrdreg $0x9  }
0x28: {  	_ =	task.clear_ibuf [dreg:s6], $0x4FFFF;
	_ =	strace $0x90000046  }
0x29: {  	s29 =	simm.s32 $0x9;
	_ =	strace $0x80000048  }
0x2a: {  	_ =	swait.ge [sflag:s29], $0x1  }
0x2b: {  	[sflag:s29] =	ssyncadd.s32 $0xFFFFFFFF  }
0x2c: {  	_ =	strace $0x90000048  }
0x2d: {  	_ =	sfence  }
0x2e: {  	s30 =	sld [smem:$0x0];
	_ =	sdelay $0x2  }
0x2f: {  	s31 =	sshll.u32 s3, $0xD;
	s3 =	sshrl.u32 s3, $0x2  }
0x30: {  	s2 =	sand.u32 $0x4000, s31;
	s1 =	sadd.s32 s3, s30  }
0x31: {  	s0 =	sor.u32 s2, s0;
	s1 =	sshll.u32 s1, $0x11  }
0x32: {  	s0 =	sor.u32 s1, s0  }
0x33: {  	s0 =	sadd.s32 $0x8F2B, s0  }
0x34: {  	[sflag:s0] =	ssyncadd.remote.s32 $0x1  }
0x35: {  	_ =	sfence.sel $0xFFFF  }
0x36: {  	[dreg:$0x0] =	wrdreg $0xFFFFFFFF;
	(pc) =	sbr.abs _section_cstart, $3  }
0x37: {  	[dreg:$0x1] =	wrdreg $0xFFFFFFFF  }
0x38: {  	_ =	task.clear_ibuf [dreg:s6], $0x2FFFF;
	_ =	strace $0x9FFFFFFF  }
0x39: {  	(tm) =	ssettm $0x7FFFFFFF  }
tec
execute0_lowered:
.L_overlay_start_1:
0x0: {  	(tag) =	ssettag $0x1  }
0x1: {  	s0 =	srdreg.scid  }
0x2: {  	s5 =	rddreg [dreg:$0x0];
	s1 =	stileid.u32;
	s4 =	simm.s32 $0x1  }
0x3: {  	s6 =	simm.s32 $0x2;
	s15 =	simm.s32 $0x0;
	p0 =	por $0x0, $0x0  }
0x4: {  	s8 =	simm.s32 $0x80;
	s14 =	simm.s32 $0x0;
	s2 =	sshll.u32 s0, $0x4  }
0x5: {  	s9 =	simm.s32 $0x0;
	s10 =	simm.s32 $0x0;
	s2 =	sand.u32 $0x10, s2  }
.Ltmp0:
0x6: {  	s12 =	simm.s32 $0x0;
	s3 =	sor.u32 s1, s2;
	(pc) =	sbr.rel .LBB1_1-.Ltmp0, $4  }
0x7: {  	s0 =	rddreg [dreg:$0x1];
	_ =	strace $0x80000047;
	s3 =	sshll.u32 s3, $0x7  }
0x8: {  	s13 =	simm.s32 $0x0;
	[sflag:s4] =	ssyncpa.u1 $0x0;
	s7 =	ssub.s32 $0xF4200, s3  }
0x9: {  	s2 =	sadd.s32 $0x3D1A00, s5;
	[sflag:s6] =	ssyncpa.u1 $0x0;
	s6 =	sshrl.u32 s7, $0xC  }
0xa: {  	s5 =	sadd.s32 $0x7A2400, s5;
	s11 =	smov.u32 s3;
	s7 =	sadd.s32 $0x2, s6  }
.LBB1_5:
0xb: {  	p1 =	slt.u32 s13, $0x2  }
0xc: {  	s17 =	smov.u32 s15;
	p2 =	sgt.s32 @!p1 s15, $0xF41C0;
	s16 =	sshra.s32 @!p1 s15, $0x1F  }
0xd: {  	p3 =	sgt.s32 @!p1 s14, $0x60;
	s18 =	sshra.s32 @!p1 s14, $0x1F;
	p2 =	por !p2, p1  }
0xe: {  	s15 =	sand.u32 @!p1 s16, s15;
	p3 =	por !p3, p1;
	s16 =	smov.u32 s14  }
0xf: {  	s14 =	sand.u32 @!p1 s18, s14;
	s17 =	simm.s32 @p2 $0xF41C0;
	s16 =	simm.s32 @p3 $0x60  }
0x10: {  	s15 =	ssub.s32 @!p1 s17, s15;
	s14 =	ssub.s32 @!p1 s16, s14  }
0x11: {  	s18 =	smov.u32 s12;
	s16 =	sadd.s32 @!p1 $0xFFF0BE40, s15;
	s17 =	sadd.s32 @!p1 $0xFFFFFFA0, s14  }
0x12: {  	s15 =	ssub.s32 @!p1 $0xF4240, s15;
	p2 =	sgt.s32 @!p1 s16, $0x7F;
	p3 =	sgt.s32 @!p1 s17, $0x1F  }
0x13: {  	s14 =	ssub.s32 @!p1 $0x80, s14;
	p2 =	por !p2, p1;
	p3 =	por !p3, p1  }
0x14: {  	s16 =	sadd.s32 $0x1000, s11;
	s15 =	simm.s32 @!p2 $0x0;
	s14 =	simm.s32 @!p3 $0x0  }
0x15: {  	p2 =	sgt.s32 s16, $0xF423F;
	s14 =	smul.u32 @!p1 s14, s15;
	s15 =	sadd.s32 $0x20, s12  }
0x16: {  	s18 =	smov.u32 @p2 s15  }
0x17: {  	s16 =	smov.u32 @p2 s3;
	p2 =	sgt.s32 s18, $0x1F  }
0x18: {  	s18 =	simm.s32 @p2 $0x0;
	p2 =	sne.s32 s13, s7  }
.Ltmp1:
0x19: {  	p0 =	por !p0, !p0;
	s17 =	simm.s32 @!p1 $0x2;
	(pc) =	sbr.rel @!p2 .LBB1_6-.Ltmp1, $4  }
0x1a: {  	s15 =	smov.u32 s9;
	s9 =	smov.u32 s11;
	s14 =	sand.u32 @!p1 $0x3FFFFFFF, s14  }
0x1b: {  	s11 =	smov.u32 s16;
	_ =	swait.ge @!p1 [sflag:s17], s14;
	s19 =	ssub.s32 @!p1 $0x0, s14  }
0x1c: {  	s14 =	smov.u32 s10;
	s13 =	sadd.s32 $0x1, s13;
	[sflag:s17] =	ssyncset.done @!p1 $0x0  }
0x1d: {  	s10 =	smov.u32 s12;
	s12 =	smov.u32 s18;
	[sflag:s17] =	ssyncadd.s32 @!p1 s19  }
.LBB1_1:
0x1e: {  	p1 =	sgt.u32 s13, s6  }
0x1f: {  	s16 =	sshrl.u32 @!p1 s12, $0x3  }
0x20: {  	s17 =	sshll.u32 @!p1 s11, $0x3;
	s16 =	smul.u32 @!p1 $0x7A1400, s16  }
0x21: {  	s18 =	sshll.u32 @!p1 s12, $0x7;
	s17 =	sand.u32 @!p1 $0xFFFFFC00, s17  }
0x22: {  	s16 =	sadd.s32 @!p1 s16, s17;
	s17 =	sand.u32 @!p1 $0x380, s18  }
0x23: {  	s18 =	sand.u32 @!p1 $0x7F, s11;
	s16 =	sor.u32 @!p1 s17, s16  }
0x24: {  	s17 =	sor.u32 @!p1 s18, s16  }
0x25: {  	s18 =	smulhi.u32 @!p1 $0x218D6287, s17;
	_ =	sdelay $0x1  }
0x26: {  	s16 =	smulhi.u32 @!p1 $0x218D6287, s16;
	s18 =	sshrl.u32 @!p1 s18, $0x11  }
0x27: {  	s18 =	smul.u32 @!p1 $0xF4280, s18  }
0x28: {  	s19 =	sxor.u32 @!p1 $0xFFFFFFFF, s13;
	s16 =	sshrl.u32 @!p1 s16, $0x11  }
0x29: {  	s19 =	sshll.u32 @!p1 s19, $0xC;
	s16 =	sand.u32 @!p1 $0x1F, s16;
	s17 =	ssub.s32 @!p1 s17, s18  }
0x2a: {  	s16 =	smul.u32 @!p1 $0x1E850, s16;
	s18 =	sshrl.u32 @!p1 s17, $0x3;
	s17 =	sand.u32 @!p1 $0x7, s17  }
0x2b: {  	s19 =	sand.u32 @!p1 $0x1000, s19;
	s18 =	sadd.s32 @!p1 s2, s18;
	s17 =	sshll.u32 @!p1 s17, $0x12  }
0x2c: {  	s16 =	sadd.s32 @!p1 s16, s18;
	s17 =	sor.u32 @!p1 $0x400, s17;
	s18 =	simm.s32 @!p1 $0x7A1400  }
0x2d: {  	[tilespmem:s19], [sflag:$0x1] =	stream.strided.gather @!p1 [hbm4b:s16+s17], $0x1000, s18, s17, $0x38;
	[tilespmem:$0x4100] =	vst v63  }
0x2e: {  	p1 =	seq.s32 s13, $0x0  }
0x2f: {  	p2 =	sge.u32 @!p1 s13, s7  }
0x30: {  	p1 =	por p1, p2  }
.Ltmp2:
0x31: {  	_ = 	snop;
	(pc) =	sbr.rel @p1 .LBB1_5-.Ltmp2, $1  }
0x32: {  	_ =	sdelay $0x3  }
0x33: {  	s16 =	simm.s32 $0x1  }
0x34: {  	_ =	swait.ge [sflag:s4], $0x1000;
	s16 =	simm.s32 @!p0 $0x0  }
0x35: {  	[sflag:s4] =	ssyncset.done $0x0;
	s17 =	sshll.u32 s16, $0xC  }
0x36: {  	[sflag:s4] =	ssyncadd.s32 $0xFFFFF000;
	s17 =	sor.u32 $0x40, s17  }
0x37: {  	s16 =	smul.u32 $0x4200, s16;
	v0 =	vld [tilespmem:s17+$0x30]  }
0x38: {  	v1 =	vld [tilespmem:s17+$0xFFFFFFD0]  }
0x39: {  	s16 =	sshrl.u32 s16, $0x2;
	v5 =	vld [tilespmem:s17+$0xFFFFFFE0]  }
0x3a: {  	v6 =	vld [tilespmem:s17+$0xFFFFFFF0];
	s19 =	sor.u32 $0x2000, s16  }
0x3b: {  	s31 =	sand.u32 $0x1, s13;
	v4 =	vld [tilespmem:s17+$0x0];
	s18 =	sadd.s32 $0x0, s19  }
0x3c: {  	v3 =	vld [tilespmem:s17+$0x10];
	s16 =	smul.u32 $0x4200, s31;
	[tilespmem:s18+$0xE70 ss:$0x21] =	vst.msk $0xffff, v0  }
0x3d: {  	v2 =	vld [tilespmem:s17+$0x20];
	[tilespmem:s18+$0x210 ss:$0x21] =	vst.msk $0xffff, v1  }
0x3e: {  	s16 =	sshrl.u32 s16, $0x2;
	v1 =	vld [tilespmem:s17+$0xFFFFFFC0];
	[tilespmem:s18+$0x420 ss:$0x21] =	vst.msk $0xffff, v5;
	s17 =	sadd.s32 $0x80, s17  }
0x3f: {  	s20 =	simm.s32 $0x4;
	s21 =	simm.s32 $0x8;
	s16 =	sor.u32 $0x2000, s16;
	[tilespmem:s18+$0x630 ss:$0x21] =	vst.msk $0xffff, v6;
	v0 =	vld [tilespmem:s17+$0x30]  }
.LBB1_3:
0x40: {  	p1 =	sne.s32 s21, $0x7C;
	v5 =	vld [tilespmem:s17+$0xFFFFFFD0];
	[tilespmem:s18+$0x840 ss:$0x21] =	vst.msk $0xffff, v4  }
0x41: {  	v6 =	vld [tilespmem:s17+$0xFFFFFFE0];
	[tilespmem:s18+$0xA50 ss:$0x21] =	vst.msk $0xffff, v3  }
0x42: {  	s22 =	sshra.s32 s20, $0x2;
	s20 =	smov.u32 s21;
	v7 =	vld [tilespmem:s17+$0xFFFFFFF0];
	[tilespmem:s18+$0xC60 ss:$0x21] =	vst.msk $0xffff, v2  }
.Ltmp3:
0x43: {  	v4 =	vld [tilespmem:s17+$0x0];
	[tilespmem:s18+$0x0 ss:$0x21] =	vst.msk $0xffff, v1;
	s18 =	sadd.s32 s22, s19;
	(pc) =	sbr.rel @p1 .LBB1_3-.Ltmp3, $4  }
0x44: {  	v3 =	vld [tilespmem:s17+$0x10];
	[tilespmem:s18+$0xE70 ss:$0x21] =	vst.msk $0xffff, v0  }
0x45: {  	[tilespmem:s18+$0x210 ss:$0x21] =	vst.msk $0xffff, v5;
	v2 =	vld [tilespmem:s17+$0x20]  }
0x46: {  	v1 =	vld [tilespmem:s17+$0xFFFFFFC0];
	[tilespmem:s18+$0x420 ss:$0x21] =	vst.msk $0xffff, v6;
	s17 =	sadd.s32 $0x80, s17  }
0x47: {  	s21 =	sadd.s32 $0x4, s21;
	v0 =	vld [tilespmem:s17+$0x30];
	[tilespmem:s18+$0x630 ss:$0x21] =	vst.msk $0xffff, v7  }
0x48: {  	s21 =	sshll.u32 s9, $0x7;
	s22 =	sshll.u32 s10, $0x3;
	s20 =	sshra.s32 s20, $0x2  }
0x49: {  	p1 =	sgt.s32 s9, $0xF41C0;
	s30 =	sshra.s32 s9, $0x1F;
	s25 =	sshra.s32 s10, $0x1F  }
0x4a: {  	v5 =	vld [tilespmem:s17+$0xFFFFFFD0];
	s28 =	sshrl.u32 s10, $0x3;
	s23 =	sand.u32 $0xFFFFFC00, s21;
	s22 =	sand.u32 $0xFFFFFC00, s22  }
0x4b: {  	[tilespmem:s18+$0x840 ss:$0x21] =	vst.msk $0xffff, v4;
	v58 =	vld [tilespmem:s17+$0xFFFFFFE0];
	s21 =	sand.u32 $0x380, s21;
	s19 =	sadd.s32 s20, s19;
	s22 =	sadd.s32 s22, s23  }
0x4c: {  	v59 =	vld [tilespmem:s17+$0xFFFFFFF0];
	[tilespmem:s18+$0xA50 ss:$0x21] =	vst.msk $0xffff, v3;
	s29 =	sor.u32 s21, s22;
	s21 =	smov.u32 s9;
	s22 =	sand.u32 s30, s9  }
0x4d: {  	v60 =	vld [tilespmem:s17+$0x0];
	[tilespmem:s18+$0xC60 ss:$0x21] =	vst.msk $0xffff, v2;
	s30 =	sand.u32 $0x7, s10;
	s20 =	sshrl.u32 s29, $0x7;
	s21 =	simm.s32 @!p1 $0xF41C0  }
0x4e: {  	v61 =	vld [tilespmem:s17+$0x10];
	[tilespmem:s18+$0x0 ss:$0x21] =	vst.msk $0xffff, v1;
	p1 =	sgt.s32 s10, $0x60;
	s24 =	ssub.s32 s21, s22;
	s21 =	smov.u32 s10  }
0x4f: {  	v62 =	vld [tilespmem:s17+$0x20];
	[tilespmem:s19+$0xE70 ss:$0x21] =	vst.msk $0xffff, v0;
	s31 =	smulhi.u32 $0x218DEF5, s20;
	s22 =	sand.u32 s25, s10;
	s21 =	simm.s32 @!p1 $0x60  }
0x50: {  	v63 =	vld [tilespmem:s17+$0xFFFFFFC0];
	[tilespmem:s19+$0x210 ss:$0x21] =	vst.msk $0xffff, v5;
	s26 =	sadd.s32 $0xFFF0BE40, s24;
	s17 =	ssub.s32 $0xF4240, s24;
	s21 =	ssub.s32 s21, s22  }
0x51: {  	[tilespmem:s19+$0x420 ss:$0x21] =	vst.msk $0xffff, v58;
	s23 =	sshrl.u32 s31, $0xD;
	p1 =	sgt.s32 s26, $0x7F;
	s27 =	sadd.s32 $0xFFFFFFA0, s21  }
0x52: {  	[tilespmem:s19+$0x630 ss:$0x21] =	vst.msk $0xffff, v59;
	s23 =	smul.u32 $0xF4240, s23;
	s18 =	ssub.s32 $0x80, s21;
	p2 =	sgt.s32 s27, $0x1F  }
.Ltmp4:
0x53: {  	[tilespmem:s19+$0x840 ss:$0x21] =	vst.msk $0xffff, v60;
	s17 =	simm.s32 @p1 $0x0;
	s18 =	simm.s32 @p2 $0x0;
	(pc) =	sbr.rel .LBB1_5-.Ltmp4, $4  }
0x54: {  	s29 =	sand.u32 $0xF, s28;
	[tilespmem:s19+$0xA50 ss:$0x21] =	vst.msk $0xffff, v61;
	s20 =	ssub.s32 s20, s23;
	s17 =	smul.u32 s18, s17  }
0x55: {  	[tilespmem:s19+$0xC60 ss:$0x21] =	vst.msk $0xffff, v62;
	s21 =	sshll.u32 s30, $0x12;
	s20 =	sshll.u32 s20, $0x4;
	s18 =	sadd.s32 s5, s29  }
0x56: {  	[tilespmem:s19+$0x0 ss:$0x21] =	vst.msk $0xffff, v63;
	s31 =	sor.u32 $0x20, s21;
	s18 =	sadd.s32 s20, s18;
	s17 =	sand.u32 $0x3FFFFFFF, s17  }
0x57: {  	[hbm4b:s18+s31] =	stream.strided.scatter [tilespmem:s16], [sflag:$0x2], s17, s8, s31, $0x10;
	[tilespmem:$0x4100] =	vst v63  }
.LBB1_6:
0x58: {  	_ =	sfence.sel $0x180000  }
0x59: {  	s2 =	simm.s32 $0x1;
	[bflag:$0x0] =	sbarrier.arrive $0xFFFF  }
0x5a: {  	s31 =	simm.s32 $0x2;
	[sflag:s2] =	ssyncpa.u1 $0x1  }
0x5b: {  	[sflag:s31] =	ssyncpa.u1 $0x1  }
0x5c: {  	p0 =	sne.s32 s1, $0x0;
	_ =	strace $0x90000047  }
0x5d: {  	s0 =	sadd.s32 @!p0 $0x100000, s0;
	[bflag:$0x2] =	sbarrier.arrive $0xFFFF  }
0x5e: {  	[sflag:s0] =	ssyncadd.tile.s32 @!p0 $0x1;
	_ =	shalt  }
.Lfunc_end1:
_tile_overlayer_lowered:
.L_overlay_start_2:
0x5f: {  	(tag) =	ssettag $0x2  }
0x60: {  	s0 =	rddreg [dreg:$0x0];
	s2 =	stileid.u32  }
0x61: {  	s1 =	rddreg [dreg:$0x1];
	p0 =	sne.s32 s2, $0x0  }
0x62: {  	s3 =	rddreg [dreg:$0x2];
	[bflag:$0x3] =	sbarrier.arrive $0xFFFF;
	s2 =	simm.s32 @!p0 $0x1C01  }
0x63: {  	[timem:s3], [sflag:s2] =	dma.local @!p0 [hbm:s0], s1  }
0x64: {  	s0 =	simm.s32 @!p0 $0x1  }
0x65: {  	_ =	swait.ge @!p0 [sflag:s0], s1  }
0x66: {  	s1 =	ssub.s32 @!p0 $0x0, s1;
	[sflag:s0] =	ssyncset.done @!p0 $0x0  }
0x67: {  	[sflag:s0] =	ssyncadd.s32 @!p0 s1  }
0x68: {  	[bflag:$0x3] =	sbarrier.arrive $0xFFFF  }
0x69: {  	_ =	shalt  }

// kernel: sparse-core-data-format-call.cloned.1.call-start
scs
called_computation_lowered:
.L_overlay_start_0:
0x0: {  	s2 =	sld [smem:$0x3FD9]  }
0x1: {  	s3 =	sld [smem:$0x3FFE];
	_ =	sdelay $0x1  }
0x2: {  	s1 =	srdreg.scid  }
0x3: {  	s0 =	sand.u32 $0x1, s1  }
0x4: {  	s18 =	sshll.u32 s0, $0xA;
	s2 =	sadd.s32 s3, s2  }
0x5: {  	s2 =	sadd.s32 s2, s18  }
0x6: {  	[smem:$0x3FC6] =	sst s2  }
0x7: {  	_ = 	snop  }
0x8: {  	s2 =	sld [smem:$0x3FD0];
	(tm) =	ssettm $0x1  }
0x9: {  	s19 =	sld [smem:$0x3FFB];
	_ =	sdelay $0x3  }
0xa: {  	_ =	strace s19  }
0xb: {  	s3 =	sld [smem:$0x3FFC];
	_ =	sdelay $0x3  }
0xc: {  	_ =	strace s3  }
0xd: {  	s3 =	sld [smem:$0x3FFD];
	_ =	sdelay $0x3  }
0xe: {  	_ =	strace s3  }
0xf: {  	_ =	strace $0x8FFFFFFF  }
0x10: {  	s20 =	sld [smem:$0x3FDB];
	_ =	sdelay $0x1  }
0x11: {  	s4 =	simm.s32 $_scs_section_size  }
0x12: {  	s5 =	simm.s32 $_size__tile_overlayer_lowered;
	s6 =	simm.s32 $_tile_overlayer_lowered  }
0x13: {  	s23 =	simm.s32 $0x1BFF;
	s22 =	sshll.u32 s6, $0x1;
	s3 =	sadd.s32 s4, s20  }
0x14: {  	s7 =	simm.s32 $0x0;
	s21 =	sshll.u32 s5, $0x1;
	s5 =	sadd.s32 s22, s3  }
0x15: {  	[timem:s7], [sflag:s23] =	dma.local [hbm:s5], s21  }
0x16: {  	_ =	swait.ge [sflag:s23], s21  }
0x17: {  	s4 =	ssub.s32 $0x0, s21;
	[sflag:s23] =	ssyncset.done $0x0  }
0x18: {  	[sflag:s23] =	ssyncadd.s32 s4;
	_ =	sdelay $0x1  }
0x19: {  	s24 =	simm.s32 $0x1B8B  }
0x1a: {  	_ =	swait.ge [sflag:s24], $0x1  }
0x1b: {  	[sflag:s24] =	ssyncset.done $0x0  }
0x1c: {  	s26 =	simm.s32 $0x1B8E;
	s25 =	sld [smem:$0x3FFE];
	[sflag:s24] =	ssyncadd.s32 $0xFFFFFFFF  }
0x1d: {  	s27 =	simm.s32 $execute0_lowered;
	[smem:$0x3FD2] =	sst s26  }
0x1e: {  	s5 =	sshll.u32 s27, $0x1;
	_ =	strace $0x8000004F;
	[dreg:$0x1] =	wrdreg $0xFFFFFFFF  }
0x1f: {  	s28 =	simm.s32 $_size_execute0_lowered;
	s3 =	sadd.s32 s3, s5;
	[dreg:$0x0] =	wrdreg $0x0  }
0x20: {  	s5 =	sshll.u32 s28, $0x1;
	[dreg:$0x2] =	wrdreg s3  }
0x21: {  	[dreg:$0x3] =	wrdreg s5  }
0x22: {  	[dreg:$0x4] =	wrdreg $0xC0  }
0x23: {  	_ =	task [dreg:s7], $0x5FFFF  }
0x24: {  	[dreg:$0x1] =	wrdreg $0xFFFFFFFF  }
0x25: {  	[dreg:$0x0] =	wrdreg $0x60  }
0x26: {  	[dreg:$0x2] =	wrdreg s25  }
0x27: {  	[dreg:$0x3] =	wrdreg s2  }
0x28: {  	[dreg:$0x4] =	wrdreg $0x9  }
0x29: {  	_ =	task.clear_ibuf [dreg:s7], $0x5FFFF;
	_ =	strace $0x9000004F  }
0x2a: {  	s29 =	simm.s32 $0x9;
	_ =	strace $0x80000051  }
0x2b: {  	_ =	swait.ge [sflag:s29], $0x1  }
0x2c: {  	[sflag:s29] =	ssyncadd.s32 $0xFFFFFFFF  }
0x2d: {  	_ =	strace $0x90000051  }
0x2e: {  	_ =	sfence  }
0x2f: {  	s30 =	sld [smem:$0x0];
	_ =	sdelay $0x2  }
0x30: {  	s31 =	sshll.u32 s1, $0xD;
	s1 =	sshrl.u32 s1, $0x2  }
0x31: {  	s3 =	sand.u32 $0x4000, s31;
	s1 =	sadd.s32 s1, s30  }
0x32: {  	s0 =	sor.u32 s3, s0;
	s1 =	sshll.u32 s1, $0x11  }
0x33: {  	s0 =	sor.u32 s1, s0  }
0x34: {  	s0 =	sadd.s32 $0x8F2B, s0  }
0x35: {  	[sflag:s0] =	ssyncadd.remote.s32 $0x1  }
0x36: {  	_ =	sfence.sel $0xFFFF  }
0x37: {  	[dreg:$0x0] =	wrdreg $0xFFFFFFFF;
	(pc) =	sbr.abs _section_cstart, $3  }
0x38: {  	[dreg:$0x1] =	wrdreg $0xFFFFFFFF  }
0x39: {  	_ =	task.clear_ibuf [dreg:s7], $0x2FFFF;
	_ =	strace $0x9FFFFFFF  }
0x3a: {  	(tm) =	ssettm $0x7FFFFFFF  }
0x3b: {  	_ =	shalt  }
tec
execute0_lowered:
.L_overlay_start_1:
0x0: {  	(tag) =	ssettag $0x1  }
0x1: {  	s7 =	rddreg [dreg:$0x0]  }
0x2: {  	s0 =	srdreg.scid;
	s3 =	rddreg [dreg:$0x1];
	s8 =	simm.s32 $0x0  }
0x3: {  	s5 =	simm.s32 $0x1;
	s9 =	simm.s32 $0x2;
	s1 =	sshll.u32 s0, $0x4  }
0x4: {  	s17 =	simm.s32 $0x0;
	s0 =	stileid.u32;
	s1 =	sand.u32 $0x10, s1  }
0x5: {  	s18 =	simm.s32 $0x0;
	s19 =	simm.s32 $0x0;
	s1 =	sor.u32 s0, s1  }
0x6: {  	s10 =	simm.s32 $0x0;
	s11 =	simm.s32 $0x0;
	s2 =	sshll.u32 s1, $0x1  }
0x7: {  	s12 =	simm.s32 $0x0;
	s13 =	simm.s32 $0x0;
	s6 =	ssub.s32 $0x40, s2  }
0x8: {  	s14 =	simm.s32 $0x0;
	s1 =	rddreg [dreg:$0x2];
	s4 =	sand.u32 $0x3E, s6  }
.Ltmp0:
0x9: {  	_ =	strace $0x80000050;
	p0 =	seq.s32 s4, $0x0;
	(pc) =	sbr.rel .LBB1_1-.Ltmp0, $4  }
0xa: {  	s16 =	simm.s32 $0x0;
	[sflag:s5] =	ssyncpa.u1 $0x0;
	s8 =	simm.s32 @!p0 $0x40  }
0xb: {  	s15 =	smov.u32 s2;
	[sflag:s9] =	ssyncpa.u1 $0x0;
	s6 =	sadd.s32 s6, s8  }
0xc: {  	s9 =	simm.s32 $0x20000;
	s4 =	sadd.s32 $0x1000, s7;
	s6 =	sand.u32 $0xC0, s6  }
0xd: {  	s7 =	sadd.s32 $0x11000, s7;
	p0 =	por $0x0, $0x0;
	s8 =	sor.u32 $0x1, s6  }
.LBB1_4:
0xe: {  	s23 =	sshll.u32 s12, $0xC  }
0xf: {  	p1 =	sgt.s32 s10, $0x48;
	s24 =	smov.u32 s10;
	s25 =	smov.u32 s12  }
0x10: {  	s26 =	sshra.s32 s12, $0x1F;
	s27 =	sshra.s32 s10, $0x1F;
	s28 =	sshra.s32 s11, $0x1F  }
0x11: {  	s29 =	sshll.u32 s12, $0x7;
	s24 =	simm.s32 @!p1 $0x48;
	p1 =	sgt.s32 s12, $0x3E  }
0x12: {  	s26 =	sand.u32 s26, s12;
	s27 =	sand.u32 s27, s10;
	s28 =	sand.u32 s28, s11  }
0x13: {  	s23 =	sand.u32 $0x38000, s23;
	s25 =	simm.s32 @!p1 $0x3E;
	p1 =	sgt.s32 s11, $0xF80  }
0x14: {  	s24 =	ssub.s32 s24, s27;
	s25 =	ssub.s32 s25, s26;
	s26 =	smov.u32 s11  }
0x15: {  	s27 =	sand.u32 $0x300, s29;
	s29 =	sshll.u32 s11, $0x1;
	s26 =	simm.s32 @!p1 $0xF80  }
0x16: {  	s30 =	sadd.s32 $0xFFFFFFB8, s24;
	s31 =	sadd.s32 $0xFFFFFFC2, s25;
	s26 =	ssub.s32 s26, s28  }
0x17: {  	[tilespmem:s20+$0x1830 ss:$0x81] =	vst.msk $0xffff, v13;
	v8 =	vpack.i.b32.b16 v9, v8;
	s25 =	ssub.s32 $0x40, s25;
	p1 =	sgt.s32 s31, $0x1;
	s28 =	sadd.s32 $0xFFFFF080, s26  }
0x18: {  	v50 =	vpack.i.b32.b16 v12, v11;
	[tilespmem:s20+$0x1831 ss:$0x81] =	vst.msk $0xffff, v8;
	s25 =	simm.s32 @p1 $0x0;
	s26 =	ssub.s32 $0x1000, s26;
	p1 =	sgt.s32 s28, $0x7F  }
0x19: {  	v51 =	vunpack.i.l.s16.s32 v4;
	v52 =	vunpack.i.l.s16.s32 v6;
	v7 =	vpack.i.b32.b16 v10, v7;
	[tilespmem:s20+$0x2040 ss:$0x81] =	vst.msk $0xffff, v50;
	s24 =	ssub.s32 $0xC8, s24;
	s28 =	sshll.u32 s11, $0x3;
	s26 =	simm.s32 @p1 $0x0  }
0x1a: {  	v56 =	vunpack.i.l.s16.s32 v5;
	v55 =	vpack.i.b32.b16 v52, v51;
	[tilespmem:s20+$0x2041 ss:$0x81] =	vst.msk $0xffff, v7;
	p1 =	sgt.s32 s30, $0x7F;
	s31 =	sand.u32 $0xC00, s28;
	s25 =	smul.u32 s25, s26  }
0x1b: {  	v58 =	vunpack.i.l.s16.s32 v2;
	v59 =	vunpack.i.l.s16.s32 v3;
	v1 =	vpack.i.b32.b16 v1, v56;
	[tilespmem:s20+$0x2850 ss:$0x81] =	vst.msk $0xffff, v55;
	s30 =	sand.u32 $0xF0, s29;
	s23 =	sadd.s32 s23, s28;
	s24 =	simm.s32 @p1 $0x0  }
0x1c: {  	v53 =	vunpack.i.u.s16.s32 v4;
	v54 =	vunpack.i.u.s16.s32 v6;
	v62 =	vpack.i.b32.b16 v59, v58;
	[tilespmem:s20+$0x0 ss:$0x81] =	vst.msk $0xffff, v1;
	s28 =	sand.u32 $0x7, s11;
	s23 =	sshrl.u32 s23, $0x4;
	s24 =	smul.u32 s24, s25  }
0x1d: {  	v57 =	vunpack.i.u.s16.s32 v5;
	v4 =	vpack.i.b32.b16 v54, v53;
	[tilespmem:s22+$0x3060 ss:$0x81] =	vst.msk $0xffff, v62;
	s26 =	sor.u32 s27, s31;
	s27 =	sshll.u32 s10, $0xE;
	s23 =	sand.u32 $0x3F00, s23  }
0x1e: {  	v60 =	vunpack.i.u.s16.s32 v2;
	v61 =	vunpack.i.u.s16.s32 v3;
	v0 =	vpack.i.b32.b16 v0, v57;
	[tilespmem:s20+$0x2851 ss:$0x81] =	vst.msk $0xffff, v4;
	s25 =	sor.u32 s30, s26;
	s31 =	sshrl.u32 s24, $0x1;
	s24 =	sadd.s32 s3, s27  }
0x1f: {  	v63 =	vpack.i.b32.b16 v61, v60;
	[tilespmem:s22+$0x1 ss:$0x81] =	vst.msk $0xffff, v0;
	s29 =	sshll.u32 s28, $0x12;
	s25 =	sshrl.u32 s25, $0x4;
	s23 =	sadd.s32 s23, s24  }
0x20: {  	[tilespmem:s22+$0x3061 ss:$0x81] =	vst.msk $0xffff, v63;
	s20 =	sand.u32 $0x3FFFFFFF, s31;
	s31 =	sor.u32 $0x80, s29;
	s30 =	sadd.s32 s25, s23  }
0x21: {  	[hbm4b:s30+s31] =	stream.strided.scatter [tilespmem:s21], [sflag:$0x2], s20, s9, s31, $0x20;
	[tilespmem:$0x10100] =	vst v63  }
.LBB1_5:
0x22: {  	p1 =	slt.u32 s16, $0x2;
	s20 =	smov.u32 s19  }
0x23: {  	p2 =	sgt.s32 @!p1 s19, $0x3E;
	s21 =	sshra.s32 @!p1 s19, $0x1F;
	p3 =	sgt.s32 @!p1 s17, $0x48  }
0x24: {  	p2 =	por !p2, p1;
	s19 =	sand.u32 @!p1 s21, s19;
	s21 =	sshra.s32 @!p1 s17, $0x1F  }
0x25: {  	p3 =	por !p3, p1;
	s20 =	simm.s32 @p2 $0x3E;
	p2 =	sgt.s32 @!p1 s18, $0xF80  }
0x26: {  	s19 =	ssub.s32 @!p1 s20, s19;
	s20 =	sshra.s32 @!p1 s18, $0x1F;
	p2 =	por !p2, p1  }
0x27: {  	s21 =	sand.u32 @!p1 s21, s17;
	s20 =	sand.u32 @!p1 s20, s18;
	s18 =	simm.s32 @p2 $0xF80  }
0x28: {  	s17 =	simm.s32 @p3 $0x48;
	s18 =	ssub.s32 @!p1 s18, s20;
	s20 =	sadd.s32 @!p1 $0xFFFFFFC2, s19  }
0x29: {  	s17 =	ssub.s32 @!p1 s17, s21;
	p2 =	sgt.s32 @!p1 s20, $0x1;
	s20 =	sadd.s32 @!p1 $0xFFFFF080, s18  }
0x2a: {  	s21 =	sadd.s32 @!p1 $0xFFFFFFB8, s17;
	s19 =	ssub.s32 @!p1 $0x40, s19;
	p3 =	sgt.s32 @!p1 s20, $0x7F  }
0x2b: {  	s18 =	ssub.s32 @!p1 $0x1000, s18;
	p2 =	por !p2, p1;
	p3 =	por !p3, p1  }
0x2c: {  	s19 =	simm.s32 @!p2 $0x0;
	p2 =	sgt.s32 @!p1 s21, $0x7F;
	s18 =	simm.s32 @!p3 $0x0  }
0x2d: {  	s17 =	ssub.s32 @!p1 $0xC8, s17;
	p2 =	por !p2, p1;
	s18 =	smul.u32 @!p1 s19, s18  }
0x2e: {  	s20 =	sadd.s32 $0x80, s13;
	s21 =	smov.u32 s14;
	s17 =	simm.s32 @!p2 $0x0  }
0x2f: {  	p2 =	sgt.s32 s20, $0xC7;
	s17 =	smul.u32 @!p1 s17, s18;
	s18 =	sadd.s32 $0x80, s14  }
0x30: {  	s22 =	smov.u32 s15;
	s21 =	smov.u32 @p2 s18  }
0x31: {  	p0 =	por !p0, !p0;
	s18 =	sadd.s32 $0x40, s15;
	p3 =	sgt.s32 s21, $0xFFF  }
0x32: {  	s23 =	simm.s32 @!p1 $0x2;
	s19 =	smov.u32 s12;
	s22 =	smov.u32 @p3 s18  }
0x33: {  	s12 =	smov.u32 s15;
	s20 =	simm.s32 @p2 $0x0;
	p2 =	sgt.s32 s22, $0x3F  }
0x34: {  	s17 =	sshrl.u32 @!p1 s17, $0x1;
	s22 =	smov.u32 @p2 s2;
	p2 =	sne.s32 s16, s8  }
.Ltmp1:
0x35: {  	s17 =	sand.u32 @!p1 $0x3FFFFFFF, s17;
	s21 =	simm.s32 @p3 $0x0;
	(pc) =	sbr.rel @!p2 .LBB1_6-.Ltmp1, $4  }
0x36: {  	s18 =	smov.u32 s11;
	s11 =	smov.u32 s14;
	_ =	swait.ge @!p1 [sflag:s23], s17  }
0x37: {  	s24 =	ssub.s32 @!p1 $0x0, s17;
	s17 =	smov.u32 s10;
	s10 =	smov.u32 s13  }
0x38: {  	s13 =	smov.u32 s20;
	s14 =	smov.u32 s21;
	[sflag:s23] =	ssyncset.done @!p1 $0x0  }
0x39: {  	s16 =	sadd.s32 $0x1, s16;
	[sflag:s23] =	ssyncadd.s32 @!p1 s24;
	s15 =	smov.u32 s22  }
.LBB1_1:
0x3a: {  	p1 =	sge.u32 s16, s6  }
0x3b: {  	s20 =	sshll.u32 @!p1 s14, $0x8;
	s21 =	sshll.u32 @!p1 s13, $0x3  }
0x3c: {  	s22 =	sshll.u32 @!p1 s14, $0x7;
	s20 =	sand.u32 @!p1 $0xFF800, s20;
	s21 =	sand.u32 @!p1 $0xFFC00, s21  }
0x3d: {  	s20 =	sadd.s32 @!p1 s20, s21;
	s21 =	sand.u32 @!p1 $0x300, s22  }
0x3e: {  	s23 =	sshll.u32 @!p1 s15, $0x10;
	s26 =	sand.u32 @!p1 $0x7, s13;
	s20 =	sor.u32 @!p1 s21, s20  }
0x3f: {  	s22 =	sshrl.u32 @!p1 s13, $0x3;
	s21 =	sxor.u32 @!p1 $0xFFFFFFFF, s16;
	s20 =	sshrl.u32 @!p1 s20, $0x4  }
0x40: {  	s22 =	sand.u32 @!p1 $0xF, s22;
	s21 =	sshll.u32 @!p1 s21, $0xE;
	s20 =	sand.u32 @!p1 $0xFFF0, s20  }
0x41: {  	s25 =	sadd.s32 @!p1 s4, s22;
	s21 =	sand.u32 @!p1 $0x4000, s21;
	s24 =	sor.u32 @!p1 s20, s23  }
0x42: {  	s23 =	sadd.s32 @!p1 s23, s7;
	s24 =	sadd.s32 @!p1 s24, s25;
	s25 =	sshll.u32 @!p1 s26, $0x12  }
0x43: {  	s26 =	simm.s32 @!p1 $0x400;
	s22 =	sadd.s32 @!p1 s22, s23;
	s25 =	sor.u32 @!p1 $0x200, s25  }
0x44: {  	[tilespmem:s21], [sflag:$0x1] =	stream.strided.gather @!p1 [hbm4b:s24+s25], $0x2000, s26, s25, $0x38;
	[tilespmem:$0x10100] =	vst v63  }
0x45: {  	s31 =	sadd.s32 $0xFFFFFFFF, s16;
	s20 =	sadd.s32 @!p1 s20, s22;
	s21 =	sor.u32 @!p1 $0x2000, s21  }
0x46: {  	[tilespmem:s21], [sflag:$0x1] =	stream.strided.gather @!p1 [hbm4b:s20+s25], $0x2000, s26, s25, $0x38;
	[tilespmem:$0x10100] =	vst v63  }
0x47: {  	p1 =	sge.u32 s31, s6  }
.Ltmp2:
0x48: {  	_ = 	snop;
	(pc) =	sbr.rel @p1 .LBB1_5-.Ltmp2, $1  }
0x49: {  	_ =	sdelay $0x3  }
0x4a: {  	s20 =	simm.s32 $0x1  }
0x4b: {  	_ =	swait.ge [sflag:s5], $0x4000;
	s20 =	simm.s32 @!p0 $0x0  }
0x4c: {  	[sflag:s5] =	ssyncset.done $0x0;
	s21 =	sshll.u32 s20, $0xE  }
0x4d: {  	[sflag:s5] =	ssyncadd.s32 $0xFFFFC000;
	s22 =	sor.u32 $0x2000, s21  }
0x4e: {  	v0 =	vld [tilespmem:s22+$0xFFFFE070]  }
0x4f: {  	v1 =	vld [tilespmem:s22+$0x70]  }
0x50: {  	v2 =	vld [tilespmem:s22+$0x0]  }
0x51: {  	v6 =	vld [tilespmem:s22+$0x20]  }
0x52: {  	v3 =	vld [tilespmem:s22+$0xFFFFE010]  }
0x53: {  	v4 =	vld [tilespmem:s22+$0x10]  }
0x54: {  	s20 =	smul.u32 $0x10200, s20;
	v5 =	vld [tilespmem:s22+$0xFFFFE020];
	v7 =	vunpack.i.l.s16.s32 v0;
	v8 =	vunpack.i.l.s16.s32 v1  }
0x55: {  	v9 =	vld [tilespmem:s22+$0xFFFFE030];
	v10 =	vunpack.i.u.s16.s32 v0;
	v11 =	vunpack.i.u.s16.s32 v1;
	v0 =	vunpack.i.u.s16.s32 v2  }
0x56: {  	s20 =	sshrl.u32 s20, $0x2;
	v1 =	vunpack.i.l.s16.s32 v2;
	v2 =	vld [tilespmem:s22+$0x30];
	v13 =	vunpack.i.u.s16.s32 v6;
	v15 =	vunpack.i.l.s16.s32 v6  }
0x57: {  	v12 =	vld [tilespmem:s22+$0xFFFFE040];
	s20 =	sor.u32 $0x8000, s20;
	v7 =	vpack.i.b32.b16 v8, v7;
	v8 =	vpack.i.b32.b16 v11, v10;
	v10 =	vunpack.i.u.s16.s32 v3  }
0x58: {  	v14 =	vld [tilespmem:s22+$0x40];
	v3 =	vunpack.i.l.s16.s32 v3;
	v11 =	vunpack.i.u.s16.s32 v4;
	v4 =	vunpack.i.l.s16.s32 v4;
	[tilespmem:s20+$0x3870 ss:$0x81] =	vst.msk $0xffff, v7  }
0x59: {  	s31 =	sand.u32 $0x1, s16;
	v7 =	vunpack.i.u.s16.s32 v5;
	v5 =	vunpack.i.l.s16.s32 v5;
	v3 =	vpack.i.b32.b16 v4, v3;
	v4 =	vld [tilespmem:s22+$0xFFFFE050];
	[tilespmem:s20+$0x3871 ss:$0x81] =	vst.msk $0xffff, v8  }
0x5a: {  	s21 =	smul.u32 $0x10200, s31;
	v6 =	vld [tilespmem:s22+$0x50];
	[tilespmem:s20+$0x810 ss:$0x81] =	vst.msk $0xffff, v3;
	v3 =	vpack.i.b32.b16 v11, v10;
	v8 =	vunpack.i.u.s16.s32 v9;
	v10 =	vunpack.i.l.s16.s32 v9  }
0x5b: {  	[tilespmem:s20+$0x811 ss:$0x81] =	vst.msk $0xffff, v3;
	v3 =	vpack.i.b32.b16 v15, v5;
	v9 =	vunpack.i.u.s16.s32 v2;
	v15 =	vunpack.i.l.s16.s32 v2;
	v2 =	vld [tilespmem:s22+$0xFFFFE060]  }
0x5c: {  	s23 =	simm.s32 $0x0;
	s21 =	sshrl.u32 s21, $0x2;
	v13 =	vpack.i.b32.b16 v13, v7;
	v7 =	vunpack.i.u.s16.s32 v12;
	v11 =	vunpack.i.l.s16.s32 v12;
	[tilespmem:s20+$0x1020 ss:$0x81] =	vst.msk $0xffff, v3;
	v3 =	vld [tilespmem:s22+$0x60]  }
0x5d: {  	s24 =	sadd.s32 $0x80, s22;
	s21 =	sor.u32 $0x8000, s21;
	v12 =	vunpack.i.l.s16.s32 v14;
	v5 =	vld [tilespmem:s22+$0xFFFFE000];
	s22 =	smov.u32 s20;
	[tilespmem:s20+$0x1021 ss:$0x81] =	vst.msk $0xffff, v13;
	v13 =	vpack.i.b32.b16 v15, v10;
	v10 =	vunpack.i.u.s16.s32 v14  }
.LBB1_3:
0x5e: {  	v14 =	vld [tilespmem:s24+$0xFFFFE070];
	[tilespmem:s20+$0x1830 ss:$0x81] =	vst.msk $0xffff, v13;
	v8 =	vpack.i.b32.b16 v9, v8;
	v9 =	vunpack.i.u.s16.s32 v4;
	v4 =	vunpack.i.l.s16.s32 v4  }
0x5f: {  	v13 =	vld [tilespmem:s24+$0x70];
	[tilespmem:s20+$0x1831 ss:$0x81] =	vst.msk $0xffff, v8;
	v8 =	vpack.i.b32.b16 v12, v11;
	v11 =	vunpack.i.u.s16.s32 v6;
	v6 =	vunpack.i.l.s16.s32 v6  }
0x60: {  	s23 =	sadd.s32 $0x2, s23;
	v7 =	vpack.i.b32.b16 v10, v7;
	v12 =	vld [tilespmem:s24+$0x0];
	[tilespmem:s20+$0x2040 ss:$0x81] =	vst.msk $0xffff, v8;
	v8 =	vunpack.i.u.s16.s32 v2;
	v2 =	vunpack.i.l.s16.s32 v2  }
0x61: {  	p1 =	slt.u32 s23, $0x7E;
	v4 =	vpack.i.b32.b16 v6, v4;
	v6 =	vunpack.i.u.s16.s32 v3;
	v3 =	vunpack.i.l.s16.s32 v3;
	v10 =	vld [tilespmem:s24+$0xFFFFE010];
	[tilespmem:s20+$0x2041 ss:$0x81] =	vst.msk $0xffff, v7  }
0x62: {  	v15 =	vunpack.i.u.s16.s32 v5;
	v5 =	vunpack.i.l.s16.s32 v5;
	v7 =	vld [tilespmem:s24+$0x10];
	[tilespmem:s20+$0x2850 ss:$0x81] =	vst.msk $0xffff, v4;
	v4 =	vpack.i.b32.b16 v11, v9  }
0x63: {  	v1 =	vpack.i.b32.b16 v1, v5;
	v0 =	vpack.i.b32.b16 v0, v15;
	v2 =	vpack.i.b32.b16 v3, v2;
	v9 =	vld [tilespmem:s24+$0xFFFFE020];
	[tilespmem:s20+$0x2851 ss:$0x81] =	vst.msk $0xffff, v4  }
0x64: {  	v6 =	vpack.i.b32.b16 v6, v8;
	v4 =	vunpack.i.l.s16.s32 v14;
	v3 =	vld [tilespmem:s24+$0x20];
	v5 =	vunpack.i.l.s16.s32 v13;
	[tilespmem:s20+$0x0 ss:$0x81] =	vst.msk $0xffff, v1  }
0x65: {  	v8 =	vunpack.i.u.s16.s32 v14;
	v13 =	vunpack.i.u.s16.s32 v13;
	s20 =	sadd.s32 $0x2, s20;
	v11 =	vld [tilespmem:s24+$0xFFFFE030];
	v4 =	vpack.i.b32.b16 v5, v4;
	[tilespmem:s22+$0x1 ss:$0x81] =	vst.msk $0xffff, v0  }
0x66: {  	v0 =	vunpack.i.u.s16.s32 v12;
	v1 =	vunpack.i.l.s16.s32 v12;
	v5 =	vld [tilespmem:s24+$0x30];
	[tilespmem:s20+$0x3870 ss:$0x81] =	vst.msk $0xffff, v4;
	v4 =	vpack.i.b32.b16 v13, v8  }
0x67: {  	v8 =	vunpack.i.u.s16.s32 v10;
	v10 =	vunpack.i.l.s16.s32 v10;
	v12 =	vunpack.i.u.s16.s32 v7;
	v13 =	vld [tilespmem:s24+$0xFFFFE040];
	[tilespmem:s20+$0x3871 ss:$0x81] =	vst.msk $0xffff, v4  }
0x68: {  	v4 =	vunpack.i.l.s16.s32 v7;
	v7 =	vunpack.i.u.s16.s32 v9;
	v9 =	vunpack.i.l.s16.s32 v9;
	v14 =	vld [tilespmem:s24+$0x40];
	[tilespmem:s22+$0x3060 ss:$0x81] =	vst.msk $0xffff, v2  }
.Ltmp3:
0x69: {  	v2 =	vpack.i.b32.b16 v4, v10;
	v10 =	vunpack.i.u.s16.s32 v3;
	v3 =	vunpack.i.l.s16.s32 v3;
	v4 =	vld [tilespmem:s24+$0xFFFFE050];
	[tilespmem:s22+$0x3061 ss:$0x81] =	vst.msk $0xffff, v6;
	s22 =	smov.u32 s20;
	(pc) =	sbr.rel @p1 .LBB1_3-.Ltmp3, $4  }
0x6a: {  	[tilespmem:s20+$0x810 ss:$0x81] =	vst.msk $0xffff, v2;
	v2 =	vpack.i.b32.b16 v12, v8;
	v8 =	vunpack.i.u.s16.s32 v11;
	v12 =	vunpack.i.l.s16.s32 v11;
	v6 =	vld [tilespmem:s24+$0x50]  }
0x6b: {  	v3 =	vpack.i.b32.b16 v3, v9;
	[tilespmem:s20+$0x811 ss:$0x81] =	vst.msk $0xffff, v2;
	v9 =	vunpack.i.u.s16.s32 v5;
	v15 =	vunpack.i.l.s16.s32 v5;
	v2 =	vld [tilespmem:s24+$0xFFFFE060]  }
0x6c: {  	v10 =	vpack.i.b32.b16 v10, v7;
	[tilespmem:s20+$0x1020 ss:$0x81] =	vst.msk $0xffff, v3;
	v7 =	vunpack.i.u.s16.s32 v13;
	v11 =	vunpack.i.l.s16.s32 v13;
	v3 =	vld [tilespmem:s24+$0x60]  }
0x6d: {  	v13 =	vpack.i.b32.b16 v15, v12;
	v5 =	vld [tilespmem:s24+$0xFFFFE000];
	[tilespmem:s20+$0x1021 ss:$0x81] =	vst.msk $0xffff, v10;
	v10 =	vunpack.i.u.s16.s32 v14;
	v12 =	vunpack.i.l.s16.s32 v14;
	s24 =	sadd.s32 $0x80, s24  }
.Ltmp4:
0x6e: {  	_ = 	snop;
	(pc) =	sbr.rel .LBB1_4-.Ltmp4, $1  }
0x6f: {  	_ =	sdelay $0x3  }
.LBB1_6:
0x70: {  	_ =	sfence.sel $0x180000  }
0x71: {  	s2 =	simm.s32 $0x1;
	[bflag:$0x0] =	sbarrier.arrive $0xFFFF  }
0x72: {  	s31 =	simm.s32 $0x2;
	[sflag:s2] =	ssyncpa.u1 $0x1  }
0x73: {  	[sflag:s31] =	ssyncpa.u1 $0x1  }
0x74: {  	p0 =	sne.s32 s0, $0x0;
	_ =	strace $0x90000050  }
0x75: {  	s0 =	sadd.s32 @!p0 $0x100000, s1;
	[bflag:$0x2] =	sbarrier.arrive $0xFFFF  }
0x76: {  	[sflag:s0] =	ssyncadd.tile.s32 @!p0 $0x1;
	_ =	shalt  }
.Lfunc_end1:
_tile_overlayer_lowered:
.L_overlay_start_2:
0x77: {  	(tag) =	ssettag $0x2  }
0x78: {  	s0 =	rddreg [dreg:$0x0];
	s2 =	stileid.u32  }
0x79: {  	s1 =	rddreg [dreg:$0x1];
	p0 =	sne.s32 s2, $0x0  }
0x7a: {  	s3 =	rddreg [dreg:$0x2];
	[bflag:$0x3] =	sbarrier.arrive $0xFFFF;
	s2 =	simm.s32 @!p0 $0x1C01  }
0x7b: {  	[timem:s3], [sflag:s2] =	dma.local @!p0 [hbm:s0], s1  }
0x7c: {  	s0 =	simm.s32 @!p0 $0x1  }
0x7d: {  	_ =	swait.ge @!p0 [sflag:s0], s1  }
0x7e: {  	s1 =	ssub.s32 @!p0 $0x0, s1;
	[sflag:s0] =	ssyncset.done @!p0 $0x0  }
0x7f: {  	[sflag:s0] =	ssyncadd.s32 @!p0 s1  }
0x80: {  	[bflag:$0x3] =	sbarrier.arrive $0xFFFF  }
0x81: {  	_ =	shalt  }

</sc_bundles>
